<compile_context>
chip_gen: v7x
topology: tpu7x:2x2x1
jax: 0.10.2.dev20260603
libtpu: 0.0.44.dev20260713+nightly
codegen_flags: <defaults>
</compile_context>

<pallas_src>
import functools

import jax
import jax.numpy as jnp
from jax import lax
from jax.experimental import pallas as pl
from jax.experimental.pallas import tpu as pltpu
from jax.experimental.pallas import tpu_sc as plsc

BEV_H, BEV_W = 200, 200
NBINS = BEV_H * BEV_W
ACC = NBINS + 64
B, NUM_CAMS, C, FEAT_H, FEAT_W = 4, 6, 96, 128, 128
NPIX = FEAT_H * FEAT_W
NPAIR = B * C
NW = 32
PAIRS_PER = NPAIR // NW


def _ids_body(mlo_ref, ylo_ref, xlo_ref, mhi_ref, yhi_ref, xhi_ref, o_ref):
    wlo = jnp.where(mlo_ref[...] != 0,
                    ylo_ref[...] * BEV_W + xlo_ref[...], NBINS)
    whi = jnp.where(mhi_ref[...] != 0,
                    yhi_ref[...] * BEV_W + xhi_ref[...], NBINS)
    o_ref[...] = wlo | (whi << 16)


_ids_call = pl.pallas_call(
    _ids_body,
    out_shape=jax.ShapeDtypeStruct((NUM_CAMS * NPIX // 256, 128), jnp.int32),
)


def _halves(arr):
    a = arr.reshape(NUM_CAMS, NPIX // 32, 2, 16)
    lo = a[:, :, 0, :].reshape(NUM_CAMS * NPIX // 256, 128)
    hi = a[:, :, 1, :].reshape(NUM_CAMS * NPIX // 256, 128)
    return lo, hi


_sc_mesh = plsc.VectorSubcoreMesh(core_axis_name="c", subcore_axis_name="s")


@functools.partial(
    pl.kernel,
    mesh=_sc_mesh,
    out_type=jax.ShapeDtypeStruct((NPAIR, NBINS), jnp.float32),
    scratch_types=[
        pltpu.VMEM((ACC,), jnp.float32),
        pltpu.VMEM((NUM_CAMS * NPIX // 2,), jnp.int32),
        pltpu.VMEM((2, NPIX), jnp.float32),
        pltpu.SemaphoreType.DMA,
        pltpu.SemaphoreType.DMA,
    ],
    compiler_params=pltpu.CompilerParams(needs_layout_passes=False,
                                         use_tc_tiling_on_sc=False),
)
def _scatter_kernel(feat_hbm, ids_hbm, out_hbm, acc, idsbuf, datav,
                    sem_d0, sem_d1):
    wid = lax.axis_index("s") * 2 + lax.axis_index("c")
    zero16 = jnp.zeros((16,), jnp.float32)
    sem_d = (sem_d0, sem_d1)

    pltpu.sync_copy(ids_hbm, idsbuf)

    def pair_body(j, _):
        pair = wid * PAIRS_PER + j
        b = pair // C
        c = pair - b * C

        def issue(cam, slot):
            row = (b * NUM_CAMS + cam) * C + c
            return pltpu.async_copy(feat_hbm.at[row], datav.at[slot],
                                    sem_d[slot])

        hs = [None, None]
        hs[0] = issue(0, 0)

        @plsc.parallel_loop(0, ACC // 16, 1, unroll=8)
        def zero_body(i):
            acc[pl.ds(i * 16, 16)] = zero16

        for cam in range(NUM_CAMS):
            slot = cam % 2
            if cam + 1 < NUM_CAMS:
                hs[(cam + 1) % 2] = issue(cam + 1, (cam + 1) % 2)
            hs[slot].wait()
            base = cam * (NPIX // 2)

            @plsc.parallel_loop(0, NPIX // 32, 1, unroll=8)
            def g_body(g):
                w = idsbuf[pl.ds(base + g * 16, 16)]
                ilo = w & 0xFFFF
                ihi = lax.shift_right_logical(w, 16)
                xlo = datav[slot, pl.ds(g * 32, 16)]
                xhi = datav[slot, pl.ds(g * 32 + 16, 16)]
                plsc.addupdate_scatter(acc, [ilo], xlo, mask=ilo != NBINS)
                plsc.addupdate_scatter(acc, [ihi], xhi, mask=ihi != NBINS)

        pltpu.sync_copy(acc.at[pl.ds(0, NBINS)], out_hbm.at[pair])
        return 0

    lax.fori_loop(0, PAIRS_PER, pair_body, 0)


def kernel(features, valid_masks, bev_y_indices, bev_x_indices):
    y = bev_y_indices.astype(jnp.int32)
    x = bev_x_indices.astype(jnp.int32)
    m = valid_masks.astype(jnp.int32)
    ylo, yhi = _halves(y)
    xlo, xhi = _halves(x)
    mlo, mhi = _halves(m)
    ids = _ids_call(mlo, ylo, xlo, mhi, yhi, xhi).reshape(-1)
    feat = features.reshape(B * NUM_CAMS * C, NPIX)
    out = _scatter_kernel(feat, ids)
    return out.reshape(B, C, BEV_H, BEV_W)

# --- scband reference (transcript-rebuilt; emitter-appended) ---
"""Pipeline reference for scband-bevprojector-88837103551332 (READ-ONLY COPY).

The authoritative reference and input builder live on the scoring server;
editing this copy changes nothing except your own understanding.
"""

import jax, jax.numpy as jnp
import numpy as np

BEV_H, BEV_W = 200, 200
B, NUM_CAMS, C, FEAT_H, FEAT_W = 4, 6, 96, 128, 128


def setup_inputs(seed: int = 0) -> dict:
    key = jax.random.key(seed)
    k1, k2, k3, k4 = jax.random.split(key, 4)
    features = jax.random.normal(k1, (B, NUM_CAMS, C, FEAT_H, FEAT_W), dtype=jnp.float32)
    # Precomputed projection buffers (registered buffers in the torch module).
    # In the real module these come from fisheye ground-plane geometry; here we
    # synthesize in-range indices and a validity mask with the same structure.
    valid_masks = jax.random.randint(k2, (NUM_CAMS, FEAT_H, FEAT_W), 0, 2).astype(jnp.bool_)
    bev_y_indices = jax.random.randint(k3, (NUM_CAMS, FEAT_H, FEAT_W), 0, BEV_H).astype(jnp.int64)
    bev_x_indices = jax.random.randint(k4, (NUM_CAMS, FEAT_H, FEAT_W), 0, BEV_W).astype(jnp.int64)
    return {
        "features": features,
        "valid_masks": valid_masks,
        "bev_y_indices": bev_y_indices,
        "bev_x_indices": bev_x_indices,
    }


def reference(features, valid_masks, bev_y_indices, bev_x_indices):
    # features: (B, num_cams, C, feat_H, feat_W)
    # For each camera, scatter-add valid pixel features into the BEV grid.
    b, num_cams, c, feat_h, feat_w = features.shape
    flat_idx = bev_y_indices * BEV_W + bev_x_indices  # (num_cams, H, W)
    # Route invalid pixels to a dummy bin that is dropped afterwards.
    ids = jnp.where(valid_masks, flat_idx, BEV_H * BEV_W).reshape(-1)  # (num_cams*H*W,)
    # Move the scatter axis (cams*H*W) to the front; batch/channel become columns.
    data = jnp.transpose(features, (1, 3, 4, 0, 2)).reshape(num_cams * feat_h * feat_w, b * c)
    summed = jax.ops.segment_sum(data, ids, num_segments=BEV_H * BEV_W + 1)
    summed = summed[: BEV_H * BEV_W]  # drop dummy bin
    bev = summed.reshape(BEV_H, BEV_W, b, c)
    bev = jnp.transpose(bev, (2, 3, 0, 1))  # (B, C, bev_H, bev_W)
    return bev

if __name__ == "__main__":
    import jax
    _d = setup_inputs()
    print(jax.jit(kernel)(*tuple(_d.values())))

</pallas_src>

<mosaic_0001>
#map = affine_map<(d0, d1) -> (0, 0)>
#map1 = affine_map<(d0, d1) -> (0)>
module attributes {stable_mosaic.version = 14 : i64} {
  func.func @_scatter_kernel(%arg0: i32, %arg1: i32, %arg2: memref<2304x16384xf32, #tpu.memory_space<hbm>>, %arg3: memref<49152xi32, #tpu.memory_space<hbm>>, %arg4: memref<384x40000xf32, #tpu.memory_space<hbm>>, %arg5: memref<40064xf32, #tpu.memory_space<vmem>>, %arg6: memref<49152xi32, #tpu.memory_space<vmem>>, %arg7: memref<2x16384xf32, #tpu.memory_space<vmem>>, %arg8: memref<!tpu.dma_semaphore, #tpu.memory_space<semaphore_mem>>, %arg9: memref<!tpu.dma_semaphore, #tpu.memory_space<semaphore_mem>>) attributes {dimension_semantics = [#tpu.dimension_semantics<core_parallel>, #tpu.dimension_semantics<subcore_parallel>], iteration_bounds = array<i64: 2, 16>, scalar_prefetch = 0 : i64, scratch_operands = 5 : i64, tpu.core_type = #tpu.core_type<sc_vector_subcore>, window_params = [{transform_indices = #map}, {transform_indices = #map1}, {transform_indices = #map}]} {
    %mul3A = arith.constant 2 : i32
    %mul3A_0 = arith.muli %arg1, %mul3A : i32
    %add3A = arith.addi %mul3A_0, %arg0 : i32
    %broadcast_in_dim3A = arith.constant 0.000000e+00 : f32
    %broadcast_in_dim3A_1 = vector.broadcast %broadcast_in_dim3A : f32 to vector<16xf32>
    "tpu.region"() ({
      %run_scoped3A = tpu.sem_alloc : memref<!tpu.dma_semaphore, #tpu.memory_space<semaphore_mem>>
      tpu.enqueue_dma source(%arg3 : memref<49152xi32, #tpu.memory_space<hbm>>) target(%arg6 : memref<49152xi32, #tpu.memory_space<vmem>>) target_semaphore(%run_scoped3A : memref<!tpu.dma_semaphore, #tpu.memory_space<semaphore_mem>>)
      tpu.wait_dma2 semaphore(%run_scoped3A : memref<!tpu.dma_semaphore, #tpu.memory_space<semaphore_mem>>) src(%arg3 : memref<49152xi32, #tpu.memory_space<hbm>>) dst(%arg6 : memref<49152xi32, #tpu.memory_space<vmem>>)
      tpu.yield
    }) : () -> ()
    %scan3A = arith.constant 0 : i32
    %scan3A_2 = arith.constant 0 : i32
    %scan3A_3 = arith.constant 12 : i32
    %scan3A_4 = arith.addi %scan3A_2, %scan3A_3 : i32
    %scan3A_5 = arith.constant 1 : i32
    %scan3A_6 = scf.for %scan3A_8 = %scan3A_2 to %scan3A_4 step %scan3A_5 iter_args(%scan3A_9 = %scan3A) -> (i32)  : i32 {
      %mul3A_10 = arith.constant 12 : i32
      %mul3A_11 = arith.muli %add3A, %mul3A_10 : i32
      %add3A_12 = arith.addi %mul3A_11, %scan3A_8 : i32
      %jit3A = arith.constant 96 : i32
      %div3A = arith.divsi %add3A_12, %jit3A : i32
      %sign3A = arith.constant 0 : i32
      %sign3A_13 = arith.cmpi sgt, %add3A_12, %sign3A : i32
      %sign3A_14 = arith.extui %sign3A_13 : i1 to i32
      %sign3A_15 = arith.constant 0 : i32
      %sign3A_16 = arith.cmpi slt, %add3A_12, %sign3A_15 : i32
      %sign3A_17 = arith.extui %sign3A_16 : i1 to i32
      %sign3A_18 = arith.subi %sign3A_14, %sign3A_17 : i32
      %sign3A_19 = arith.constant 0 : i32
      %sign3A_20 = arith.cmpi sgt, %jit3A, %sign3A_19 : i32
      %sign3A_21 = arith.extui %sign3A_20 : i1 to i32
      %sign3A_22 = arith.constant 0 : i32
      %sign3A_23 = arith.cmpi slt, %jit3A, %sign3A_22 : i32
      %sign3A_24 = arith.extui %sign3A_23 : i1 to i32
      %sign3A_25 = arith.subi %sign3A_21, %sign3A_24 : i32
      %ne3A = arith.cmpi ne, %sign3A_18, %sign3A_25 : i32
      %rem3A = arith.remsi %add3A_12, %jit3A : i32
      %ne3A_26 = arith.constant 0 : i32
      %ne3A_27 = arith.cmpi ne, %rem3A, %ne3A_26 : i32
      %and3A = arith.andi %ne3A, %ne3A_27 : i1
      %sub3A = arith.constant 1 : i32
      %sub3A_28 = arith.subi %div3A, %sub3A : i32
      %select_n3A = arith.select %and3A, %sub3A_28, %div3A : i32
      %mul3A_29 = arith.constant 96 : i32
      %mul3A_30 = arith.muli %select_n3A, %mul3A_29 : i32
      %sub3A_31 = arith.subi %add3A_12, %mul3A_30 : i32
      %mul3A_32 = arith.constant 6 : i32
      %mul3A_33 = arith.muli %select_n3A, %mul3A_32 : i32
      %add3A_34 = arith.constant 0 : i32
      %add3A_35 = arith.addi %mul3A_33, %add3A_34 : i32
      %mul3A_36 = arith.constant 96 : i32
      %mul3A_37 = arith.muli %add3A_35, %mul3A_36 : i32
      %add3A_38 = arith.addi %mul3A_37, %sub3A_31 : i32
      %dma_start3A = arith.constant 0 : i32
      %dma_start3A_39 = arith.constant 0 : i32
      %dma_start3A_40 = tpu.memref_slice %arg7[%dma_start3A, %dma_start3A_39] : memref<2x16384xf32, #tpu.memory_space<vmem>> -> memref<1x16384xf32, #tpu.memory_space<vmem>>
      %dma_start3A_41 = tpu.memref_squeeze %dma_start3A_40 : memref<1x16384xf32, #tpu.memory_space<vmem>> -> memref<16384xf32, #tpu.memory_space<vmem>>
      %dma_start3A_42 = arith.constant 0 : i32
      %dma_start3A_43 = tpu.memref_slice %arg2[%add3A_38, %dma_start3A_42] : memref<2304x16384xf32, #tpu.memory_space<hbm>> -> memref<1x16384xf32, #tpu.memory_space<hbm>>
      %dma_start3A_44 = tpu.memref_squeeze %dma_start3A_43 : memref<1x16384xf32, #tpu.memory_space<hbm>> -> memref<16384xf32, #tpu.memory_space<hbm>>
      %dma_start3A_45 = arith.constant 0 : i32
      %dma_start3A_46 = tpu.memref_slice %arg7[%dma_start3A, %dma_start3A_45] : memref<2x16384xf32, #tpu.memory_space<vmem>> -> memref<1x16384xf32, #tpu.memory_space<vmem>>
      %dma_start3A_47 = tpu.memref_squeeze %dma_start3A_46 : memref<1x16384xf32, #tpu.memory_space<vmem>> -> memref<16384xf32, #tpu.memory_space<vmem>>
      %dma_start3A_48 = arith.constant 0 : i32
      %dma_start3A_49 = tpu.memref_slice %arg2[%add3A_38, %dma_start3A_48] : memref<2304x16384xf32, #tpu.memory_space<hbm>> -> memref<1x16384xf32, #tpu.memory_space<hbm>>
      %dma_start3A_50 = tpu.memref_squeeze %dma_start3A_49 : memref<1x16384xf32, #tpu.memory_space<hbm>> -> memref<16384xf32, #tpu.memory_space<hbm>>
      tpu.enqueue_dma source(%dma_start3A_50 : memref<16384xf32, #tpu.memory_space<hbm>>) target(%dma_start3A_47 : memref<16384xf32, #tpu.memory_space<vmem>>) target_semaphore(%arg8 : memref<!tpu.dma_semaphore, #tpu.memory_space<semaphore_mem>>)
      %parallel_loop3A = arith.constant 0 : i32
      %parallel_loop3A_51 = arith.constant 2504 : i32
      %parallel_loop3A_52 = arith.constant 1 : i32
      scf.for %parallel_loop3A_249 = %parallel_loop3A to %parallel_loop3A_51 step %parallel_loop3A_52  : i32 {
        %parallel_loop3A_250 = arith.constant 16 : i32
        %parallel_loop3A_251 = arith.muli %parallel_loop3A_249, %parallel_loop3A_250 : i32
        %parallel_loop3A_252 = arith.index_cast %parallel_loop3A_251 : i32 to index
        %parallel_loop3A_253 = tpu.vector_load %arg5[%parallel_loop3A_252] {strides = array<i32>} : memref<40064xf32, #tpu.memory_space<vmem>>, vector<16xf32>,
        tpu.vector_store %arg5[%parallel_loop3A_252], %broadcast_in_dim3A_1 {strides = array<i32>} : memref<40064xf32, #tpu.memory_space<vmem>>, vector<16xf32>,
      } {sc.loop_unroll_factor = 8 : i64, sc.parallel_access}
      %mul3A_53 = arith.constant 6 : i32
      %mul3A_54 = arith.muli %select_n3A, %mul3A_53 : i32
      %add3A_55 = arith.constant 1 : i32
      %add3A_56 = arith.addi %mul3A_54, %add3A_55 : i32
      %mul3A_57 = arith.constant 96 : i32
      %mul3A_58 = arith.muli %add3A_56, %mul3A_57 : i32
      %add3A_59 = arith.addi %mul3A_58, %sub3A_31 : i32
      %dma_start3A_60 = arith.constant 1 : i32
      %dma_start3A_61 = arith.constant 0 : i32
      %dma_start3A_62 = tpu.memref_slice %arg7[%dma_start3A_60, %dma_start3A_61] : memref<2x16384xf32, #tpu.memory_space<vmem>> -> memref<1x16384xf32, #tpu.memory_space<vmem>>
      %dma_start3A_63 = tpu.memref_squeeze %dma_start3A_62 : memref<1x16384xf32, #tpu.memory_space<vmem>> -> memref<16384xf32, #tpu.memory_space<vmem>>
      %dma_start3A_64 = arith.constant 0 : i32
      %dma_start3A_65 = tpu.memref_slice %arg2[%add3A_59, %dma_start3A_64] : memref<2304x16384xf32, #tpu.memory_space<hbm>> -> memref<1x16384xf32, #tpu.memory_space<hbm>>
      %dma_start3A_66 = tpu.memref_squeeze %dma_start3A_65 : memref<1x16384xf32, #tpu.memory_space<hbm>> -> memref<16384xf32, #tpu.memory_space<hbm>>
      %dma_start3A_67 = arith.constant 0 : i32
      %dma_start3A_68 = tpu.memref_slice %arg7[%dma_start3A_60, %dma_start3A_67] : memref<2x16384xf32, #tpu.memory_space<vmem>> -> memref<1x16384xf32, #tpu.memory_space<vmem>>
      %dma_start3A_69 = tpu.memref_squeeze %dma_start3A_68 : memref<1x16384xf32, #tpu.memory_space<vmem>> -> memref<16384xf32, #tpu.memory_space<vmem>>
      %dma_start3A_70 = arith.constant 0 : i32
      %dma_start3A_71 = tpu.memref_slice %arg2[%add3A_59, %dma_start3A_70] : memref<2304x16384xf32, #tpu.memory_space<hbm>> -> memref<1x16384xf32, #tpu.memory_space<hbm>>
      %dma_start3A_72 = tpu.memref_squeeze %dma_start3A_71 : memref<1x16384xf32, #tpu.memory_space<hbm>> -> memref<16384xf32, #tpu.memory_space<hbm>>
      tpu.enqueue_dma source(%dma_start3A_72 : memref<16384xf32, #tpu.memory_space<hbm>>) target(%dma_start3A_69 : memref<16384xf32, #tpu.memory_space<vmem>>) target_semaphore(%arg9 : memref<!tpu.dma_semaphore, #tpu.memory_space<semaphore_mem>>)
      %dma_wait3A = arith.constant 0 : i32
      %dma_wait3A_73 = arith.constant 0 : i32
      %dma_wait3A_74 = tpu.memref_slice %arg7[%dma_wait3A, %dma_wait3A_73] : memref<2x16384xf32, #tpu.memory_space<vmem>> -> memref<1x16384xf32, #tpu.memory_space<vmem>>
      %dma_wait3A_75 = tpu.memref_squeeze %dma_wait3A_74 : memref<1x16384xf32, #tpu.memory_space<vmem>> -> memref<16384xf32, #tpu.memory_space<vmem>>
      %dma_wait3A_76 = arith.constant 0 : i32
      %dma_wait3A_77 = tpu.memref_slice %arg2[%add3A_38, %dma_wait3A_76] : memref<2304x16384xf32, #tpu.memory_space<hbm>> -> memref<1x16384xf32, #tpu.memory_space<hbm>>
      %dma_wait3A_78 = tpu.memref_squeeze %dma_wait3A_77 : memref<1x16384xf32, #tpu.memory_space<hbm>> -> memref<16384xf32, #tpu.memory_space<hbm>>
      %dma_wait3A_79 = arith.constant 0 : i32
      %dma_wait3A_80 = tpu.memref_slice %arg7[%dma_wait3A, %dma_wait3A_79] : memref<2x16384xf32, #tpu.memory_space<vmem>> -> memref<1x16384xf32, #tpu.memory_space<vmem>>
      %dma_wait3A_81 = tpu.memref_squeeze %dma_wait3A_80 : memref<1x16384xf32, #tpu.memory_space<vmem>> -> memref<16384xf32, #tpu.memory_space<vmem>>
      %dma_wait3A_82 = arith.constant 0 : i32
      %dma_wait3A_83 = tpu.memref_slice %arg2[%add3A_38, %dma_wait3A_82] : memref<2304x16384xf32, #tpu.memory_space<hbm>> -> memref<1x16384xf32, #tpu.memory_space<hbm>>
      %dma_wait3A_84 = tpu.memref_squeeze %dma_wait3A_83 : memref<1x16384xf32, #tpu.memory_space<hbm>> -> memref<16384xf32, #tpu.memory_space<hbm>>
      tpu.wait_dma2 semaphore(%arg8 : memref<!tpu.dma_semaphore, #tpu.memory_space<semaphore_mem>>) src(%dma_wait3A_84 : memref<16384xf32, #tpu.memory_space<hbm>>) dst(%dma_wait3A_81 : memref<16384xf32, #tpu.memory_space<vmem>>)
      %parallel_loop3A_85 = arith.constant 0 : i32
      %parallel_loop3A_86 = arith.constant 512 : i32
      %parallel_loop3A_87 = arith.constant 1 : i32
      scf.for %parallel_loop3A_249 = %parallel_loop3A_85 to %parallel_loop3A_86 step %parallel_loop3A_87  : i32 {
        %parallel_loop3A_250 = arith.constant 16 : i32
        %parallel_loop3A_251 = arith.muli %parallel_loop3A_249, %parallel_loop3A_250 : i32
        %parallel_loop3A_252 = arith.constant 0 : i32
        %parallel_loop3A_253 = arith.addi %parallel_loop3A_252, %parallel_loop3A_251 : i32
        %parallel_loop3A_254 = arith.index_cast %parallel_loop3A_253 : i32 to index
        %parallel_loop3A_255 = tpu.vector_load %arg6[%parallel_loop3A_254] {strides = array<i32>} : memref<49152xi32, #tpu.memory_space<vmem>>, vector<16xi32>,
        %parallel_loop3A_256 = arith.constant 65535 : i32
        %parallel_loop3A_257 = vector.broadcast %parallel_loop3A_256 : i32 to vector<16xi32>
        %parallel_loop3A_258 = arith.andi %parallel_loop3A_255, %parallel_loop3A_257 : vector<16xi32>
        %parallel_loop3A_259 = arith.constant 16 : i32
        %parallel_loop3A_260 = vector.broadcast %parallel_loop3A_259 : i32 to vector<16xi32>
        %parallel_loop3A_261 = arith.shrui %parallel_loop3A_255, %parallel_loop3A_260 : vector<16xi32>
        %parallel_loop3A_262 = arith.constant 32 : i32
        %parallel_loop3A_263 = arith.muli %parallel_loop3A_249, %parallel_loop3A_262 : i32
        %parallel_loop3A_264 = arith.constant 0 : i32
        %parallel_loop3A_265 = arith.index_cast %parallel_loop3A_264 : i32 to index
        %parallel_loop3A_266 = arith.index_cast %parallel_loop3A_263 : i32 to index
        %parallel_loop3A_267 = tpu.vector_load %arg7[%parallel_loop3A_265, %parallel_loop3A_266] {strides = array<i32>} : memref<2x16384xf32, #tpu.memory_space<vmem>>, vector<16xf32>,
        %parallel_loop3A_268 = arith.constant 32 : i32
        %parallel_loop3A_269 = arith.muli %parallel_loop3A_249, %parallel_loop3A_268 : i32
        %parallel_loop3A_270 = arith.constant 16 : i32
        %parallel_loop3A_271 = arith.addi %parallel_loop3A_269, %parallel_loop3A_270 : i32
        %parallel_loop3A_272 = arith.constant 0 : i32
        %parallel_loop3A_273 = arith.index_cast %parallel_loop3A_272 : i32 to index
        %parallel_loop3A_274 = arith.index_cast %parallel_loop3A_271 : i32 to index
        %parallel_loop3A_275 = tpu.vector_load %arg7[%parallel_loop3A_273, %parallel_loop3A_274] {strides = array<i32>} : memref<2x16384xf32, #tpu.memory_space<vmem>>, vector<16xf32>,
        %parallel_loop3A_276 = arith.constant 40000 : i32
        %parallel_loop3A_277 = vector.broadcast %parallel_loop3A_276 : i32 to vector<16xi32>
        %parallel_loop3A_278 = arith.cmpi ne, %parallel_loop3A_258, %parallel_loop3A_277 : vector<16xi32>
        tpu.vector_store_idx %arg5[%parallel_loop3A_258], %parallel_loop3A_267 masked %parallel_loop3A_278 {add = true} : memref<40064xf32, #tpu.memory_space<vmem>>[vector<16xi32>], vector<16xf32>, vector<16xi1>
        %parallel_loop3A_279 = arith.constant 40000 : i32
        %parallel_loop3A_280 = vector.broadcast %parallel_loop3A_279 : i32 to vector<16xi32>
        %parallel_loop3A_281 = arith.cmpi ne, %parallel_loop3A_261, %parallel_loop3A_280 : vector<16xi32>
        tpu.vector_store_idx %arg5[%parallel_loop3A_261], %parallel_loop3A_275 masked %parallel_loop3A_281 {add = true} : memref<40064xf32, #tpu.memory_space<vmem>>[vector<16xi32>], vector<16xf32>, vector<16xi1>
      } {sc.loop_unroll_factor = 8 : i64, sc.parallel_access}
      %mul3A_88 = arith.constant 6 : i32
      %mul3A_89 = arith.muli %select_n3A, %mul3A_88 : i32
      %add3A_90 = arith.constant 2 : i32
      %add3A_91 = arith.addi %mul3A_89, %add3A_90 : i32
      %mul3A_92 = arith.constant 96 : i32
      %mul3A_93 = arith.muli %add3A_91, %mul3A_92 : i32
      %add3A_94 = arith.addi %mul3A_93, %sub3A_31 : i32
      %dma_start3A_95 = arith.constant 0 : i32
      %dma_start3A_96 = arith.constant 0 : i32
      %dma_start3A_97 = tpu.memref_slice %arg7[%dma_start3A_95, %dma_start3A_96] : memref<2x16384xf32, #tpu.memory_space<vmem>> -> memref<1x16384xf32, #tpu.memory_space<vmem>>
      %dma_start3A_98 = tpu.memref_squeeze %dma_start3A_97 : memref<1x16384xf32, #tpu.memory_space<vmem>> -> memref<16384xf32, #tpu.memory_space<vmem>>
      %dma_start3A_99 = arith.constant 0 : i32
      %dma_start3A_100 = tpu.memref_slice %arg2[%add3A_94, %dma_start3A_99] : memref<2304x16384xf32, #tpu.memory_space<hbm>> -> memref<1x16384xf32, #tpu.memory_space<hbm>>
      %dma_start3A_101 = tpu.memref_squeeze %dma_start3A_100 : memref<1x16384xf32, #tpu.memory_space<hbm>> -> memref<16384xf32, #tpu.memory_space<hbm>>
      %dma_start3A_102 = arith.constant 0 : i32
      %dma_start3A_103 = tpu.memref_slice %arg7[%dma_start3A_95, %dma_start3A_102] : memref<2x16384xf32, #tpu.memory_space<vmem>> -> memref<1x16384xf32, #tpu.memory_space<vmem>>
      %dma_start3A_104 = tpu.memref_squeeze %dma_start3A_103 : memref<1x16384xf32, #tpu.memory_space<vmem>> -> memref<16384xf32, #tpu.memory_space<vmem>>
      %dma_start3A_105 = arith.constant 0 : i32
      %dma_start3A_106 = tpu.memref_slice %arg2[%add3A_94, %dma_start3A_105] : memref<2304x16384xf32, #tpu.memory_space<hbm>> -> memref<1x16384xf32, #tpu.memory_space<hbm>>
      %dma_start3A_107 = tpu.memref_squeeze %dma_start3A_106 : memref<1x16384xf32, #tpu.memory_space<hbm>> -> memref<16384xf32, #tpu.memory_space<hbm>>
      tpu.enqueue_dma source(%dma_start3A_107 : memref<16384xf32, #tpu.memory_space<hbm>>) target(%dma_start3A_104 : memref<16384xf32, #tpu.memory_space<vmem>>) target_semaphore(%arg8 : memref<!tpu.dma_semaphore, #tpu.memory_space<semaphore_mem>>)
      %dma_wait3A_108 = arith.constant 1 : i32
      %dma_wait3A_109 = arith.constant 0 : i32
      %dma_wait3A_110 = tpu.memref_slice %arg7[%dma_wait3A_108, %dma_wait3A_109] : memref<2x16384xf32, #tpu.memory_space<vmem>> -> memref<1x16384xf32, #tpu.memory_space<vmem>>
      %dma_wait3A_111 = tpu.memref_squeeze %dma_wait3A_110 : memref<1x16384xf32, #tpu.memory_space<vmem>> -> memref<16384xf32, #tpu.memory_space<vmem>>
      %dma_wait3A_112 = arith.constant 0 : i32
      %dma_wait3A_113 = tpu.memref_slice %arg2[%add3A_59, %dma_wait3A_112] : memref<2304x16384xf32, #tpu.memory_space<hbm>> -> memref<1x16384xf32, #tpu.memory_space<hbm>>
      %dma_wait3A_114 = tpu.memref_squeeze %dma_wait3A_113 : memref<1x16384xf32, #tpu.memory_space<hbm>> -> memref<16384xf32, #tpu.memory_space<hbm>>
      %dma_wait3A_115 = arith.constant 0 : i32
      %dma_wait3A_116 = tpu.memref_slice %arg7[%dma_wait3A_108, %dma_wait3A_115] : memref<2x16384xf32, #tpu.memory_space<vmem>> -> memref<1x16384xf32, #tpu.memory_space<vmem>>
      %dma_wait3A_117 = tpu.memref_squeeze %dma_wait3A_116 : memref<1x16384xf32, #tpu.memory_space<vmem>> -> memref<16384xf32, #tpu.memory_space<vmem>>
      %dma_wait3A_118 = arith.constant 0 : i32
      %dma_wait3A_119 = tpu.memref_slice %arg2[%add3A_59, %dma_wait3A_118] : memref<2304x16384xf32, #tpu.memory_space<hbm>> -> memref<1x16384xf32, #tpu.memory_space<hbm>>
      %dma_wait3A_120 = tpu.memref_squeeze %dma_wait3A_119 : memref<1x16384xf32, #tpu.memory_space<hbm>> -> memref<16384xf32, #tpu.memory_space<hbm>>
      tpu.wait_dma2 semaphore(%arg9 : memref<!tpu.dma_semaphore, #tpu.memory_space<semaphore_mem>>) src(%dma_wait3A_120 : memref<16384xf32, #tpu.memory_space<hbm>>) dst(%dma_wait3A_117 : memref<16384xf32, #tpu.memory_space<vmem>>)
      %parallel_loop3A_121 = arith.constant 0 : i32
      %parallel_loop3A_122 = arith.constant 512 : i32
      %parallel_loop3A_123 = arith.constant 1 : i32
      scf.for %parallel_loop3A_249 = %parallel_loop3A_121 to %parallel_loop3A_122 step %parallel_loop3A_123  : i32 {
        %parallel_loop3A_250 = arith.constant 16 : i32
        %parallel_loop3A_251 = arith.muli %parallel_loop3A_249, %parallel_loop3A_250 : i32
        %parallel_loop3A_252 = arith.constant 8192 : i32
        %parallel_loop3A_253 = arith.addi %parallel_loop3A_252, %parallel_loop3A_251 : i32
        %parallel_loop3A_254 = arith.index_cast %parallel_loop3A_253 : i32 to index
        %parallel_loop3A_255 = tpu.vector_load %arg6[%parallel_loop3A_254] {strides = array<i32>} : memref<49152xi32, #tpu.memory_space<vmem>>, vector<16xi32>,
        %parallel_loop3A_256 = arith.constant 65535 : i32
        %parallel_loop3A_257 = vector.broadcast %parallel_loop3A_256 : i32 to vector<16xi32>
        %parallel_loop3A_258 = arith.andi %parallel_loop3A_255, %parallel_loop3A_257 : vector<16xi32>
        %parallel_loop3A_259 = arith.constant 16 : i32
        %parallel_loop3A_260 = vector.broadcast %parallel_loop3A_259 : i32 to vector<16xi32>
        %parallel_loop3A_261 = arith.shrui %parallel_loop3A_255, %parallel_loop3A_260 : vector<16xi32>
        %parallel_loop3A_262 = arith.constant 32 : i32
        %parallel_loop3A_263 = arith.muli %parallel_loop3A_249, %parallel_loop3A_262 : i32
        %parallel_loop3A_264 = arith.constant 1 : i32
        %parallel_loop3A_265 = arith.index_cast %parallel_loop3A_264 : i32 to index
        %parallel_loop3A_266 = arith.index_cast %parallel_loop3A_263 : i32 to index
        %parallel_loop3A_267 = tpu.vector_load %arg7[%parallel_loop3A_265, %parallel_loop3A_266] {strides = array<i32>} : memref<2x16384xf32, #tpu.memory_space<vmem>>, vector<16xf32>,
        %parallel_loop3A_268 = arith.constant 32 : i32
        %parallel_loop3A_269 = arith.muli %parallel_loop3A_249, %parallel_loop3A_268 : i32
        %parallel_loop3A_270 = arith.constant 16 : i32
        %parallel_loop3A_271 = arith.addi %parallel_loop3A_269, %parallel_loop3A_270 : i32
        %parallel_loop3A_272 = arith.constant 1 : i32
        %parallel_loop3A_273 = arith.index_cast %parallel_loop3A_272 : i32 to index
        %parallel_loop3A_274 = arith.index_cast %parallel_loop3A_271 : i32 to index
        %parallel_loop3A_275 = tpu.vector_load %arg7[%parallel_loop3A_273, %parallel_loop3A_274] {strides = array<i32>} : memref<2x16384xf32, #tpu.memory_space<vmem>>, vector<16xf32>,
        %parallel_loop3A_276 = arith.constant 40000 : i32
        %parallel_loop3A_277 = vector.broadcast %parallel_loop3A_276 : i32 to vector<16xi32>
        %parallel_loop3A_278 = arith.cmpi ne, %parallel_loop3A_258, %parallel_loop3A_277 : vector<16xi32>
        tpu.vector_store_idx %arg5[%parallel_loop3A_258], %parallel_loop3A_267 masked %parallel_loop3A_278 {add = true} : memref<40064xf32, #tpu.memory_space<vmem>>[vector<16xi32>], vector<16xf32>, vector<16xi1>
        %parallel_loop3A_279 = arith.constant 40000 : i32
        %parallel_loop3A_280 = vector.broadcast %parallel_loop3A_279 : i32 to vector<16xi32>
        %parallel_loop3A_281 = arith.cmpi ne, %parallel_loop3A_261, %parallel_loop3A_280 : vector<16xi32>
        tpu.vector_store_idx %arg5[%parallel_loop3A_261], %parallel_loop3A_275 masked %parallel_loop3A_281 {add = true} : memref<40064xf32, #tpu.memory_space<vmem>>[vector<16xi32>], vector<16xf32>, vector<16xi1>
      } {sc.loop_unroll_factor = 8 : i64, sc.parallel_access}
      %mul3A_124 = arith.constant 6 : i32
      %mul3A_125 = arith.muli %select_n3A, %mul3A_124 : i32
      %add3A_126 = arith.constant 3 : i32
      %add3A_127 = arith.addi %mul3A_125, %add3A_126 : i32
      %mul3A_128 = arith.constant 96 : i32
      %mul3A_129 = arith.muli %add3A_127, %mul3A_128 : i32
      %add3A_130 = arith.addi %mul3A_129, %sub3A_31 : i32
      %dma_start3A_131 = arith.constant 1 : i32
      %dma_start3A_132 = arith.constant 0 : i32
      %dma_start3A_133 = tpu.memref_slice %arg7[%dma_start3A_131, %dma_start3A_132] : memref<2x16384xf32, #tpu.memory_space<vmem>> -> memref<1x16384xf32, #tpu.memory_space<vmem>>
      %dma_start3A_134 = tpu.memref_squeeze %dma_start3A_133 : memref<1x16384xf32, #tpu.memory_space<vmem>> -> memref<16384xf32, #tpu.memory_space<vmem>>
      %dma_start3A_135 = arith.constant 0 : i32
      %dma_start3A_136 = tpu.memref_slice %arg2[%add3A_130, %dma_start3A_135] : memref<2304x16384xf32, #tpu.memory_space<hbm>> -> memref<1x16384xf32, #tpu.memory_space<hbm>>
      %dma_start3A_137 = tpu.memref_squeeze %dma_start3A_136 : memref<1x16384xf32, #tpu.memory_space<hbm>> -> memref<16384xf32, #tpu.memory_space<hbm>>
      %dma_start3A_138 = arith.constant 0 : i32
      %dma_start3A_139 = tpu.memref_slice %arg7[%dma_start3A_131, %dma_start3A_138] : memref<2x16384xf32, #tpu.memory_space<vmem>> -> memref<1x16384xf32, #tpu.memory_space<vmem>>
      %dma_start3A_140 = tpu.memref_squeeze %dma_start3A_139 : memref<1x16384xf32, #tpu.memory_space<vmem>> -> memref<16384xf32, #tpu.memory_space<vmem>>
      %dma_start3A_141 = arith.constant 0 : i32
      %dma_start3A_142 = tpu.memref_slice %arg2[%add3A_130, %dma_start3A_141] : memref<2304x16384xf32, #tpu.memory_space<hbm>> -> memref<1x16384xf32, #tpu.memory_space<hbm>>
      %dma_start3A_143 = tpu.memref_squeeze %dma_start3A_142 : memref<1x16384xf32, #tpu.memory_space<hbm>> -> memref<16384xf32, #tpu.memory_space<hbm>>
      tpu.enqueue_dma source(%dma_start3A_143 : memref<16384xf32, #tpu.memory_space<hbm>>) target(%dma_start3A_140 : memref<16384xf32, #tpu.memory_space<vmem>>) target_semaphore(%arg9 : memref<!tpu.dma_semaphore, #tpu.memory_space<semaphore_mem>>)
      %dma_wait3A_144 = arith.constant 0 : i32
      %dma_wait3A_145 = arith.constant 0 : i32
      %dma_wait3A_146 = tpu.memref_slice %arg7[%dma_wait3A_144, %dma_wait3A_145] : memref<2x16384xf32, #tpu.memory_space<vmem>> -> memref<1x16384xf32, #tpu.memory_space<vmem>>
      %dma_wait3A_147 = tpu.memref_squeeze %dma_wait3A_146 : memref<1x16384xf32, #tpu.memory_space<vmem>> -> memref<16384xf32, #tpu.memory_space<vmem>>
      %dma_wait3A_148 = arith.constant 0 : i32
      %dma_wait3A_149 = tpu.memref_slice %arg2[%add3A_94, %dma_wait3A_148] : memref<2304x16384xf32, #tpu.memory_space<hbm>> -> memref<1x16384xf32, #tpu.memory_space<hbm>>
      %dma_wait3A_150 = tpu.memref_squeeze %dma_wait3A_149 : memref<1x16384xf32, #tpu.memory_space<hbm>> -> memref<16384xf32, #tpu.memory_space<hbm>>
      %dma_wait3A_151 = arith.constant 0 : i32
      %dma_wait3A_152 = tpu.memref_slice %arg7[%dma_wait3A_144, %dma_wait3A_151] : memref<2x16384xf32, #tpu.memory_space<vmem>> -> memref<1x16384xf32, #tpu.memory_space<vmem>>
      %dma_wait3A_153 = tpu.memref_squeeze %dma_wait3A_152 : memref<1x16384xf32, #tpu.memory_space<vmem>> -> memref<16384xf32, #tpu.memory_space<vmem>>
      %dma_wait3A_154 = arith.constant 0 : i32
      %dma_wait3A_155 = tpu.memref_slice %arg2[%add3A_94, %dma_wait3A_154] : memref<2304x16384xf32, #tpu.memory_space<hbm>> -> memref<1x16384xf32, #tpu.memory_space<hbm>>
      %dma_wait3A_156 = tpu.memref_squeeze %dma_wait3A_155 : memref<1x16384xf32, #tpu.memory_space<hbm>> -> memref<16384xf32, #tpu.memory_space<hbm>>
      tpu.wait_dma2 semaphore(%arg8 : memref<!tpu.dma_semaphore, #tpu.memory_space<semaphore_mem>>) src(%dma_wait3A_156 : memref<16384xf32, #tpu.memory_space<hbm>>) dst(%dma_wait3A_153 : memref<16384xf32, #tpu.memory_space<vmem>>)
      %parallel_loop3A_157 = arith.constant 0 : i32
      %parallel_loop3A_158 = arith.constant 512 : i32
      %parallel_loop3A_159 = arith.constant 1 : i32
      scf.for %parallel_loop3A_249 = %parallel_loop3A_157 to %parallel_loop3A_158 step %parallel_loop3A_159  : i32 {
        %parallel_loop3A_250 = arith.constant 16 : i32
        %parallel_loop3A_251 = arith.muli %parallel_loop3A_249, %parallel_loop3A_250 : i32
        %parallel_loop3A_252 = arith.constant 16384 : i32
        %parallel_loop3A_253 = arith.addi %parallel_loop3A_252, %parallel_loop3A_251 : i32
        %parallel_loop3A_254 = arith.index_cast %parallel_loop3A_253 : i32 to index
        %parallel_loop3A_255 = tpu.vector_load %arg6[%parallel_loop3A_254] {strides = array<i32>} : memref<49152xi32, #tpu.memory_space<vmem>>, vector<16xi32>,
        %parallel_loop3A_256 = arith.constant 65535 : i32
        %parallel_loop3A_257 = vector.broadcast %parallel_loop3A_256 : i32 to vector<16xi32>
        %parallel_loop3A_258 = arith.andi %parallel_loop3A_255, %parallel_loop3A_257 : vector<16xi32>
        %parallel_loop3A_259 = arith.constant 16 : i32
        %parallel_loop3A_260 = vector.broadcast %parallel_loop3A_259 : i32 to vector<16xi32>
        %parallel_loop3A_261 = arith.shrui %parallel_loop3A_255, %parallel_loop3A_260 : vector<16xi32>
        %parallel_loop3A_262 = arith.constant 32 : i32
        %parallel_loop3A_263 = arith.muli %parallel_loop3A_249, %parallel_loop3A_262 : i32
        %parallel_loop3A_264 = arith.constant 0 : i32
        %parallel_loop3A_265 = arith.index_cast %parallel_loop3A_264 : i32 to index
        %parallel_loop3A_266 = arith.index_cast %parallel_loop3A_263 : i32 to index
        %parallel_loop3A_267 = tpu.vector_load %arg7[%parallel_loop3A_265, %parallel_loop3A_266] {strides = array<i32>} : memref<2x16384xf32, #tpu.memory_space<vmem>>, vector<16xf32>,
        %parallel_loop3A_268 = arith.constant 32 : i32
        %parallel_loop3A_269 = arith.muli %parallel_loop3A_249, %parallel_loop3A_268 : i32
        %parallel_loop3A_270 = arith.constant 16 : i32
        %parallel_loop3A_271 = arith.addi %parallel_loop3A_269, %parallel_loop3A_270 : i32
        %parallel_loop3A_272 = arith.constant 0 : i32
        %parallel_loop3A_273 = arith.index_cast %parallel_loop3A_272 : i32 to index
        %parallel_loop3A_274 = arith.index_cast %parallel_loop3A_271 : i32 to index
        %parallel_loop3A_275 = tpu.vector_load %arg7[%parallel_loop3A_273, %parallel_loop3A_274] {strides = array<i32>} : memref<2x16384xf32, #tpu.memory_space<vmem>>, vector<16xf32>,
        %parallel_loop3A_276 = arith.constant 40000 : i32
        %parallel_loop3A_277 = vector.broadcast %parallel_loop3A_276 : i32 to vector<16xi32>
        %parallel_loop3A_278 = arith.cmpi ne, %parallel_loop3A_258, %parallel_loop3A_277 : vector<16xi32>
        tpu.vector_store_idx %arg5[%parallel_loop3A_258], %parallel_loop3A_267 masked %parallel_loop3A_278 {add = true} : memref<40064xf32, #tpu.memory_space<vmem>>[vector<16xi32>], vector<16xf32>, vector<16xi1>
        %parallel_loop3A_279 = arith.constant 40000 : i32
        %parallel_loop3A_280 = vector.broadcast %parallel_loop3A_279 : i32 to vector<16xi32>
        %parallel_loop3A_281 = arith.cmpi ne, %parallel_loop3A_261, %parallel_loop3A_280 : vector<16xi32>
        tpu.vector_store_idx %arg5[%parallel_loop3A_261], %parallel_loop3A_275 masked %parallel_loop3A_281 {add = true} : memref<40064xf32, #tpu.memory_space<vmem>>[vector<16xi32>], vector<16xf32>, vector<16xi1>
      } {sc.loop_unroll_factor = 8 : i64, sc.parallel_access}
      %mul3A_160 = arith.constant 6 : i32
      %mul3A_161 = arith.muli %select_n3A, %mul3A_160 : i32
      %add3A_162 = arith.constant 4 : i32
      %add3A_163 = arith.addi %mul3A_161, %add3A_162 : i32
      %mul3A_164 = arith.constant 96 : i32
      %mul3A_165 = arith.muli %add3A_163, %mul3A_164 : i32
      %add3A_166 = arith.addi %mul3A_165, %sub3A_31 : i32
      %dma_start3A_167 = arith.constant 0 : i32
      %dma_start3A_168 = arith.constant 0 : i32
      %dma_start3A_169 = tpu.memref_slice %arg7[%dma_start3A_167, %dma_start3A_168] : memref<2x16384xf32, #tpu.memory_space<vmem>> -> memref<1x16384xf32, #tpu.memory_space<vmem>>
      %dma_start3A_170 = tpu.memref_squeeze %dma_start3A_169 : memref<1x16384xf32, #tpu.memory_space<vmem>> -> memref<16384xf32, #tpu.memory_space<vmem>>
      %dma_start3A_171 = arith.constant 0 : i32
      %dma_start3A_172 = tpu.memref_slice %arg2[%add3A_166, %dma_start3A_171] : memref<2304x16384xf32, #tpu.memory_space<hbm>> -> memref<1x16384xf32, #tpu.memory_space<hbm>>
      %dma_start3A_173 = tpu.memref_squeeze %dma_start3A_172 : memref<1x16384xf32, #tpu.memory_space<hbm>> -> memref<16384xf32, #tpu.memory_space<hbm>>
      %dma_start3A_174 = arith.constant 0 : i32
      %dma_start3A_175 = tpu.memref_slice %arg7[%dma_start3A_167, %dma_start3A_174] : memref<2x16384xf32, #tpu.memory_space<vmem>> -> memref<1x16384xf32, #tpu.memory_space<vmem>>
      %dma_start3A_176 = tpu.memref_squeeze %dma_start3A_175 : memref<1x16384xf32, #tpu.memory_space<vmem>> -> memref<16384xf32, #tpu.memory_space<vmem>>
      %dma_start3A_177 = arith.constant 0 : i32
      %dma_start3A_178 = tpu.memref_slice %arg2[%add3A_166, %dma_start3A_177] : memref<2304x16384xf32, #tpu.memory_space<hbm>> -> memref<1x16384xf32, #tpu.memory_space<hbm>>
      %dma_start3A_179 = tpu.memref_squeeze %dma_start3A_178 : memref<1x16384xf32, #tpu.memory_space<hbm>> -> memref<16384xf32, #tpu.memory_space<hbm>>
      tpu.enqueue_dma source(%dma_start3A_179 : memref<16384xf32, #tpu.memory_space<hbm>>) target(%dma_start3A_176 : memref<16384xf32, #tpu.memory_space<vmem>>) target_semaphore(%arg8 : memref<!tpu.dma_semaphore, #tpu.memory_space<semaphore_mem>>)
      %dma_wait3A_180 = arith.constant 1 : i32
      %dma_wait3A_181 = arith.constant 0 : i32
      %dma_wait3A_182 = tpu.memref_slice %arg7[%dma_wait3A_180, %dma_wait3A_181] : memref<2x16384xf32, #tpu.memory_space<vmem>> -> memref<1x16384xf32, #tpu.memory_space<vmem>>
      %dma_wait3A_183 = tpu.memref_squeeze %dma_wait3A_182 : memref<1x16384xf32, #tpu.memory_space<vmem>> -> memref<16384xf32, #tpu.memory_space<vmem>>
      %dma_wait3A_184 = arith.constant 0 : i32
      %dma_wait3A_185 = tpu.memref_slice %arg2[%add3A_130, %dma_wait3A_184] : memref<2304x16384xf32, #tpu.memory_space<hbm>> -> memref<1x16384xf32, #tpu.memory_space<hbm>>
      %dma_wait3A_186 = tpu.memref_squeeze %dma_wait3A_185 : memref<1x16384xf32, #tpu.memory_space<hbm>> -> memref<16384xf32, #tpu.memory_space<hbm>>
      %dma_wait3A_187 = arith.constant 0 : i32
      %dma_wait3A_188 = tpu.memref_slice %arg7[%dma_wait3A_180, %dma_wait3A_187] : memref<2x16384xf32, #tpu.memory_space<vmem>> -> memref<1x16384xf32, #tpu.memory_space<vmem>>
      %dma_wait3A_189 = tpu.memref_squeeze %dma_wait3A_188 : memref<1x16384xf32, #tpu.memory_space<vmem>> -> memref<16384xf32, #tpu.memory_space<vmem>>
      %dma_wait3A_190 = arith.constant 0 : i32
      %dma_wait3A_191 = tpu.memref_slice %arg2[%add3A_130, %dma_wait3A_190] : memref<2304x16384xf32, #tpu.memory_space<hbm>> -> memref<1x16384xf32, #tpu.memory_space<hbm>>
      %dma_wait3A_192 = tpu.memref_squeeze %dma_wait3A_191 : memref<1x16384xf32, #tpu.memory_space<hbm>> -> memref<16384xf32, #tpu.memory_space<hbm>>
      tpu.wait_dma2 semaphore(%arg9 : memref<!tpu.dma_semaphore, #tpu.memory_space<semaphore_mem>>) src(%dma_wait3A_192 : memref<16384xf32, #tpu.memory_space<hbm>>) dst(%dma_wait3A_189 : memref<16384xf32, #tpu.memory_space<vmem>>)
      %parallel_loop3A_193 = arith.constant 0 : i32
      %parallel_loop3A_194 = arith.constant 512 : i32
      %parallel_loop3A_195 = arith.constant 1 : i32
      scf.for %parallel_loop3A_249 = %parallel_loop3A_193 to %parallel_loop3A_194 step %parallel_loop3A_195  : i32 {
        %parallel_loop3A_250 = arith.constant 16 : i32
        %parallel_loop3A_251 = arith.muli %parallel_loop3A_249, %parallel_loop3A_250 : i32
        %parallel_loop3A_252 = arith.constant 24576 : i32
        %parallel_loop3A_253 = arith.addi %parallel_loop3A_252, %parallel_loop3A_251 : i32
        %parallel_loop3A_254 = arith.index_cast %parallel_loop3A_253 : i32 to index
        %parallel_loop3A_255 = tpu.vector_load %arg6[%parallel_loop3A_254] {strides = array<i32>} : memref<49152xi32, #tpu.memory_space<vmem>>, vector<16xi32>,
        %parallel_loop3A_256 = arith.constant 65535 : i32
        %parallel_loop3A_257 = vector.broadcast %parallel_loop3A_256 : i32 to vector<16xi32>
        %parallel_loop3A_258 = arith.andi %parallel_loop3A_255, %parallel_loop3A_257 : vector<16xi32>
        %parallel_loop3A_259 = arith.constant 16 : i32
        %parallel_loop3A_260 = vector.broadcast %parallel_loop3A_259 : i32 to vector<16xi32>
        %parallel_loop3A_261 = arith.shrui %parallel_loop3A_255, %parallel_loop3A_260 : vector<16xi32>
        %parallel_loop3A_262 = arith.constant 32 : i32
        %parallel_loop3A_263 = arith.muli %parallel_loop3A_249, %parallel_loop3A_262 : i32
        %parallel_loop3A_264 = arith.constant 1 : i32
        %parallel_loop3A_265 = arith.index_cast %parallel_loop3A_264 : i32 to index
        %parallel_loop3A_266 = arith.index_cast %parallel_loop3A_263 : i32 to index
        %parallel_loop3A_267 = tpu.vector_load %arg7[%parallel_loop3A_265, %parallel_loop3A_266] {strides = array<i32>} : memref<2x16384xf32, #tpu.memory_space<vmem>>, vector<16xf32>,
        %parallel_loop3A_268 = arith.constant 32 : i32
        %parallel_loop3A_269 = arith.muli %parallel_loop3A_249, %parallel_loop3A_268 : i32
        %parallel_loop3A_270 = arith.constant 16 : i32
        %parallel_loop3A_271 = arith.addi %parallel_loop3A_269, %parallel_loop3A_270 : i32
        %parallel_loop3A_272 = arith.constant 1 : i32
        %parallel_loop3A_273 = arith.index_cast %parallel_loop3A_272 : i32 to index
        %parallel_loop3A_274 = arith.index_cast %parallel_loop3A_271 : i32 to index
        %parallel_loop3A_275 = tpu.vector_load %arg7[%parallel_loop3A_273, %parallel_loop3A_274] {strides = array<i32>} : memref<2x16384xf32, #tpu.memory_space<vmem>>, vector<16xf32>,
        %parallel_loop3A_276 = arith.constant 40000 : i32
        %parallel_loop3A_277 = vector.broadcast %parallel_loop3A_276 : i32 to vector<16xi32>
        %parallel_loop3A_278 = arith.cmpi ne, %parallel_loop3A_258, %parallel_loop3A_277 : vector<16xi32>
        tpu.vector_store_idx %arg5[%parallel_loop3A_258], %parallel_loop3A_267 masked %parallel_loop3A_278 {add = true} : memref<40064xf32, #tpu.memory_space<vmem>>[vector<16xi32>], vector<16xf32>, vector<16xi1>
        %parallel_loop3A_279 = arith.constant 40000 : i32
        %parallel_loop3A_280 = vector.broadcast %parallel_loop3A_279 : i32 to vector<16xi32>
        %parallel_loop3A_281 = arith.cmpi ne, %parallel_loop3A_261, %parallel_loop3A_280 : vector<16xi32>
        tpu.vector_store_idx %arg5[%parallel_loop3A_261], %parallel_loop3A_275 masked %parallel_loop3A_281 {add = true} : memref<40064xf32, #tpu.memory_space<vmem>>[vector<16xi32>], vector<16xf32>, vector<16xi1>
      } {sc.loop_unroll_factor = 8 : i64, sc.parallel_access}
      %mul3A_196 = arith.constant 6 : i32
      %mul3A_197 = arith.muli %select_n3A, %mul3A_196 : i32
      %add3A_198 = arith.constant 5 : i32
      %add3A_199 = arith.addi %mul3A_197, %add3A_198 : i32
      %mul3A_200 = arith.constant 96 : i32
      %mul3A_201 = arith.muli %add3A_199, %mul3A_200 : i32
      %add3A_202 = arith.addi %mul3A_201, %sub3A_31 : i32
      %dma_start3A_203 = arith.constant 1 : i32
      %dma_start3A_204 = arith.constant 0 : i32
      %dma_start3A_205 = tpu.memref_slice %arg7[%dma_start3A_203, %dma_start3A_204] : memref<2x16384xf32, #tpu.memory_space<vmem>> -> memref<1x16384xf32, #tpu.memory_space<vmem>>
      %dma_start3A_206 = tpu.memref_squeeze %dma_start3A_205 : memref<1x16384xf32, #tpu.memory_space<vmem>> -> memref<16384xf32, #tpu.memory_space<vmem>>
      %dma_start3A_207 = arith.constant 0 : i32
      %dma_start3A_208 = tpu.memref_slice %arg2[%add3A_202, %dma_start3A_207] : memref<2304x16384xf32, #tpu.memory_space<hbm>> -> memref<1x16384xf32, #tpu.memory_space<hbm>>
      %dma_start3A_209 = tpu.memref_squeeze %dma_start3A_208 : memref<1x16384xf32, #tpu.memory_space<hbm>> -> memref<16384xf32, #tpu.memory_space<hbm>>
      %dma_start3A_210 = arith.constant 0 : i32
      %dma_start3A_211 = tpu.memref_slice %arg7[%dma_start3A_203, %dma_start3A_210] : memref<2x16384xf32, #tpu.memory_space<vmem>> -> memref<1x16384xf32, #tpu.memory_space<vmem>>
      %dma_start3A_212 = tpu.memref_squeeze %dma_start3A_211 : memref<1x16384xf32, #tpu.memory_space<vmem>> -> memref<16384xf32, #tpu.memory_space<vmem>>
      %dma_start3A_213 = arith.constant 0 : i32
      %dma_start3A_214 = tpu.memref_slice %arg2[%add3A_202, %dma_start3A_213] : memref<2304x16384xf32, #tpu.memory_space<hbm>> -> memref<1x16384xf32, #tpu.memory_space<hbm>>
      %dma_start3A_215 = tpu.memref_squeeze %dma_start3A_214 : memref<1x16384xf32, #tpu.memory_space<hbm>> -> memref<16384xf32, #tpu.memory_space<hbm>>
      tpu.enqueue_dma source(%dma_start3A_215 : memref<16384xf32, #tpu.memory_space<hbm>>) target(%dma_start3A_212 : memref<16384xf32, #tpu.memory_space<vmem>>) target_semaphore(%arg9 : memref<!tpu.dma_semaphore, #tpu.memory_space<semaphore_mem>>)
      %dma_wait3A_216 = arith.constant 0 : i32
      %dma_wait3A_217 = arith.constant 0 : i32
      %dma_wait3A_218 = tpu.memref_slice %arg7[%dma_wait3A_216, %dma_wait3A_217] : memref<2x16384xf32, #tpu.memory_space<vmem>> -> memref<1x16384xf32, #tpu.memory_space<vmem>>
      %dma_wait3A_219 = tpu.memref_squeeze %dma_wait3A_218 : memref<1x16384xf32, #tpu.memory_space<vmem>> -> memref<16384xf32, #tpu.memory_space<vmem>>
      %dma_wait3A_220 = arith.constant 0 : i32
      %dma_wait3A_221 = tpu.memref_slice %arg2[%add3A_166, %dma_wait3A_220] : memref<2304x16384xf32, #tpu.memory_space<hbm>> -> memref<1x16384xf32, #tpu.memory_space<hbm>>
      %dma_wait3A_222 = tpu.memref_squeeze %dma_wait3A_221 : memref<1x16384xf32, #tpu.memory_space<hbm>> -> memref<16384xf32, #tpu.memory_space<hbm>>
      %dma_wait3A_223 = arith.constant 0 : i32
      %dma_wait3A_224 = tpu.memref_slice %arg7[%dma_wait3A_216, %dma_wait3A_223] : memref<2x16384xf32, #tpu.memory_space<vmem>> -> memref<1x16384xf32, #tpu.memory_space<vmem>>
      %dma_wait3A_225 = tpu.memref_squeeze %dma_wait3A_224 : memref<1x16384xf32, #tpu.memory_space<vmem>> -> memref<16384xf32, #tpu.memory_space<vmem>>
      %dma_wait3A_226 = arith.constant 0 : i32
      %dma_wait3A_227 = tpu.memref_slice %arg2[%add3A_166, %dma_wait3A_226] : memref<2304x16384xf32, #tpu.memory_space<hbm>> -> memref<1x16384xf32, #tpu.memory_space<hbm>>
      %dma_wait3A_228 = tpu.memref_squeeze %dma_wait3A_227 : memref<1x16384xf32, #tpu.memory_space<hbm>> -> memref<16384xf32, #tpu.memory_space<hbm>>
      tpu.wait_dma2 semaphore(%arg8 : memref<!tpu.dma_semaphore, #tpu.memory_space<semaphore_mem>>) src(%dma_wait3A_228 : memref<16384xf32, #tpu.memory_space<hbm>>) dst(%dma_wait3A_225 : memref<16384xf32, #tpu.memory_space<vmem>>)
      %parallel_loop3A_229 = arith.constant 0 : i32
      %parallel_loop3A_230 = arith.constant 512 : i32
      %parallel_loop3A_231 = arith.constant 1 : i32
      scf.for %parallel_loop3A_249 = %parallel_loop3A_229 to %parallel_loop3A_230 step %parallel_loop3A_231  : i32 {
        %parallel_loop3A_250 = arith.constant 16 : i32
        %parallel_loop3A_251 = arith.muli %parallel_loop3A_249, %parallel_loop3A_250 : i32
        %parallel_loop3A_252 = arith.constant 32768 : i32
        %parallel_loop3A_253 = arith.addi %parallel_loop3A_252, %parallel_loop3A_251 : i32
        %parallel_loop3A_254 = arith.index_cast %parallel_loop3A_253 : i32 to index
        %parallel_loop3A_255 = tpu.vector_load %arg6[%parallel_loop3A_254] {strides = array<i32>} : memref<49152xi32, #tpu.memory_space<vmem>>, vector<16xi32>,
        %parallel_loop3A_256 = arith.constant 65535 : i32
        %parallel_loop3A_257 = vector.broadcast %parallel_loop3A_256 : i32 to vector<16xi32>
        %parallel_loop3A_258 = arith.andi %parallel_loop3A_255, %parallel_loop3A_257 : vector<16xi32>
        %parallel_loop3A_259 = arith.constant 16 : i32
        %parallel_loop3A_260 = vector.broadcast %parallel_loop3A_259 : i32 to vector<16xi32>
        %parallel_loop3A_261 = arith.shrui %parallel_loop3A_255, %parallel_loop3A_260 : vector<16xi32>
        %parallel_loop3A_262 = arith.constant 32 : i32
        %parallel_loop3A_263 = arith.muli %parallel_loop3A_249, %parallel_loop3A_262 : i32
        %parallel_loop3A_264 = arith.constant 0 : i32
        %parallel_loop3A_265 = arith.index_cast %parallel_loop3A_264 : i32 to index
        %parallel_loop3A_266 = arith.index_cast %parallel_loop3A_263 : i32 to index
        %parallel_loop3A_267 = tpu.vector_load %arg7[%parallel_loop3A_265, %parallel_loop3A_266] {strides = array<i32>} : memref<2x16384xf32, #tpu.memory_space<vmem>>, vector<16xf32>,
        %parallel_loop3A_268 = arith.constant 32 : i32
        %parallel_loop3A_269 = arith.muli %parallel_loop3A_249, %parallel_loop3A_268 : i32
        %parallel_loop3A_270 = arith.constant 16 : i32
        %parallel_loop3A_271 = arith.addi %parallel_loop3A_269, %parallel_loop3A_270 : i32
        %parallel_loop3A_272 = arith.constant 0 : i32
        %parallel_loop3A_273 = arith.index_cast %parallel_loop3A_272 : i32 to index
        %parallel_loop3A_274 = arith.index_cast %parallel_loop3A_271 : i32 to index
        %parallel_loop3A_275 = tpu.vector_load %arg7[%parallel_loop3A_273, %parallel_loop3A_274] {strides = array<i32>} : memref<2x16384xf32, #tpu.memory_space<vmem>>, vector<16xf32>,
        %parallel_loop3A_276 = arith.constant 40000 : i32
        %parallel_loop3A_277 = vector.broadcast %parallel_loop3A_276 : i32 to vector<16xi32>
        %parallel_loop3A_278 = arith.cmpi ne, %parallel_loop3A_258, %parallel_loop3A_277 : vector<16xi32>
        tpu.vector_store_idx %arg5[%parallel_loop3A_258], %parallel_loop3A_267 masked %parallel_loop3A_278 {add = true} : memref<40064xf32, #tpu.memory_space<vmem>>[vector<16xi32>], vector<16xf32>, vector<16xi1>
        %parallel_loop3A_279 = arith.constant 40000 : i32
        %parallel_loop3A_280 = vector.broadcast %parallel_loop3A_279 : i32 to vector<16xi32>
        %parallel_loop3A_281 = arith.cmpi ne, %parallel_loop3A_261, %parallel_loop3A_280 : vector<16xi32>
        tpu.vector_store_idx %arg5[%parallel_loop3A_261], %parallel_loop3A_275 masked %parallel_loop3A_281 {add = true} : memref<40064xf32, #tpu.memory_space<vmem>>[vector<16xi32>], vector<16xf32>, vector<16xi1>
      } {sc.loop_unroll_factor = 8 : i64, sc.parallel_access}
      %dma_wait3A_232 = arith.constant 1 : i32
      %dma_wait3A_233 = arith.constant 0 : i32
      %dma_wait3A_234 = tpu.memref_slice %arg7[%dma_wait3A_232, %dma_wait3A_233] : memref<2x16384xf32, #tpu.memory_space<vmem>> -> memref<1x16384xf32, #tpu.memory_space<vmem>>
      %dma_wait3A_235 = tpu.memref_squeeze %dma_wait3A_234 : memref<1x16384xf32, #tpu.memory_space<vmem>> -> memref<16384xf32, #tpu.memory_space<vmem>>
      %dma_wait3A_236 = arith.constant 0 : i32
      %dma_wait3A_237 = tpu.memref_slice %arg2[%add3A_202, %dma_wait3A_236] : memref<2304x16384xf32, #tpu.memory_space<hbm>> -> memref<1x16384xf32, #tpu.memory_space<hbm>>
      %dma_wait3A_238 = tpu.memref_squeeze %dma_wait3A_237 : memref<1x16384xf32, #tpu.memory_space<hbm>> -> memref<16384xf32, #tpu.memory_space<hbm>>
      %dma_wait3A_239 = arith.constant 0 : i32
      %dma_wait3A_240 = tpu.memref_slice %arg7[%dma_wait3A_232, %dma_wait3A_239] : memref<2x16384xf32, #tpu.memory_space<vmem>> -> memref<1x16384xf32, #tpu.memory_space<vmem>>
      %dma_wait3A_241 = tpu.memref_squeeze %dma_wait3A_240 : memref<1x16384xf32, #tpu.memory_space<vmem>> -> memref<16384xf32, #tpu.memory_space<vmem>>
      %dma_wait3A_242 = arith.constant 0 : i32
      %dma_wait3A_243 = tpu.memref_slice %arg2[%add3A_202, %dma_wait3A_242] : memref<2304x16384xf32, #tpu.memory_space<hbm>> -> memref<1x16384xf32, #tpu.memory_space<hbm>>
      %dma_wait3A_244 = tpu.memref_squeeze %dma_wait3A_243 : memref<1x16384xf32, #tpu.memory_space<hbm>> -> memref<16384xf32, #tpu.memory_space<hbm>>
      tpu.wait_dma2 semaphore(%arg9 : memref<!tpu.dma_semaphore, #tpu.memory_space<semaphore_mem>>) src(%dma_wait3A_244 : memref<16384xf32, #tpu.memory_space<hbm>>) dst(%dma_wait3A_241 : memref<16384xf32, #tpu.memory_space<vmem>>)
      %parallel_loop3A_245 = arith.constant 0 : i32
      %parallel_loop3A_246 = arith.constant 512 : i32
      %parallel_loop3A_247 = arith.constant 1 : i32
      scf.for %parallel_loop3A_249 = %parallel_loop3A_245 to %parallel_loop3A_246 step %parallel_loop3A_247  : i32 {
        %parallel_loop3A_250 = arith.constant 16 : i32
        %parallel_loop3A_251 = arith.muli %parallel_loop3A_249, %parallel_loop3A_250 : i32
        %parallel_loop3A_252 = arith.constant 40960 : i32
        %parallel_loop3A_253 = arith.addi %parallel_loop3A_252, %parallel_loop3A_251 : i32
        %parallel_loop3A_254 = arith.index_cast %parallel_loop3A_253 : i32 to index
        %parallel_loop3A_255 = tpu.vector_load %arg6[%parallel_loop3A_254] {strides = array<i32>} : memref<49152xi32, #tpu.memory_space<vmem>>, vector<16xi32>,
        %parallel_loop3A_256 = arith.constant 65535 : i32
        %parallel_loop3A_257 = vector.broadcast %parallel_loop3A_256 : i32 to vector<16xi32>
        %parallel_loop3A_258 = arith.andi %parallel_loop3A_255, %parallel_loop3A_257 : vector<16xi32>
        %parallel_loop3A_259 = arith.constant 16 : i32
        %parallel_loop3A_260 = vector.broadcast %parallel_loop3A_259 : i32 to vector<16xi32>
        %parallel_loop3A_261 = arith.shrui %parallel_loop3A_255, %parallel_loop3A_260 : vector<16xi32>
        %parallel_loop3A_262 = arith.constant 32 : i32
        %parallel_loop3A_263 = arith.muli %parallel_loop3A_249, %parallel_loop3A_262 : i32
        %parallel_loop3A_264 = arith.constant 1 : i32
        %parallel_loop3A_265 = arith.index_cast %parallel_loop3A_264 : i32 to index
        %parallel_loop3A_266 = arith.index_cast %parallel_loop3A_263 : i32 to index
        %parallel_loop3A_267 = tpu.vector_load %arg7[%parallel_loop3A_265, %parallel_loop3A_266] {strides = array<i32>} : memref<2x16384xf32, #tpu.memory_space<vmem>>, vector<16xf32>,
        %parallel_loop3A_268 = arith.constant 32 : i32
        %parallel_loop3A_269 = arith.muli %parallel_loop3A_249, %parallel_loop3A_268 : i32
        %parallel_loop3A_270 = arith.constant 16 : i32
        %parallel_loop3A_271 = arith.addi %parallel_loop3A_269, %parallel_loop3A_270 : i32
        %parallel_loop3A_272 = arith.constant 1 : i32
        %parallel_loop3A_273 = arith.index_cast %parallel_loop3A_272 : i32 to index
        %parallel_loop3A_274 = arith.index_cast %parallel_loop3A_271 : i32 to index
        %parallel_loop3A_275 = tpu.vector_load %arg7[%parallel_loop3A_273, %parallel_loop3A_274] {strides = array<i32>} : memref<2x16384xf32, #tpu.memory_space<vmem>>, vector<16xf32>,
        %parallel_loop3A_276 = arith.constant 40000 : i32
        %parallel_loop3A_277 = vector.broadcast %parallel_loop3A_276 : i32 to vector<16xi32>
        %parallel_loop3A_278 = arith.cmpi ne, %parallel_loop3A_258, %parallel_loop3A_277 : vector<16xi32>
        tpu.vector_store_idx %arg5[%parallel_loop3A_258], %parallel_loop3A_267 masked %parallel_loop3A_278 {add = true} : memref<40064xf32, #tpu.memory_space<vmem>>[vector<16xi32>], vector<16xf32>, vector<16xi1>
        %parallel_loop3A_279 = arith.constant 40000 : i32
        %parallel_loop3A_280 = vector.broadcast %parallel_loop3A_279 : i32 to vector<16xi32>
        %parallel_loop3A_281 = arith.cmpi ne, %parallel_loop3A_261, %parallel_loop3A_280 : vector<16xi32>
        tpu.vector_store_idx %arg5[%parallel_loop3A_261], %parallel_loop3A_275 masked %parallel_loop3A_281 {add = true} : memref<40064xf32, #tpu.memory_space<vmem>>[vector<16xi32>], vector<16xf32>, vector<16xi1>
      } {sc.loop_unroll_factor = 8 : i64, sc.parallel_access}
      "tpu.region"() ({
        %run_scoped3A = tpu.sem_alloc : memref<!tpu.dma_semaphore, #tpu.memory_space<semaphore_mem>>
        %dma_start3A_249 = arith.constant 0 : i32
        %dma_start3A_250 = tpu.memref_slice %arg5[%dma_start3A_249] : memref<40064xf32, #tpu.memory_space<vmem>> -> memref<40000xf32, #tpu.memory_space<vmem>>
        %dma_start3A_251 = arith.constant 0 : i32
        %dma_start3A_252 = tpu.memref_slice %arg4[%add3A_12, %dma_start3A_251] : memref<384x40000xf32, #tpu.memory_space<hbm>> -> memref<1x40000xf32, #tpu.memory_space<hbm>>
        %dma_start3A_253 = tpu.memref_squeeze %dma_start3A_252 : memref<1x40000xf32, #tpu.memory_space<hbm>> -> memref<40000xf32, #tpu.memory_space<hbm>>
        %dma_start3A_254 = arith.constant 0 : i32
        %dma_start3A_255 = tpu.memref_slice %arg4[%add3A_12, %dma_start3A_254] : memref<384x40000xf32, #tpu.memory_space<hbm>> -> memref<1x40000xf32, #tpu.memory_space<hbm>>
        %dma_start3A_256 = tpu.memref_squeeze %dma_start3A_255 : memref<1x40000xf32, #tpu.memory_space<hbm>> -> memref<40000xf32, #tpu.memory_space<hbm>>
        %dma_start3A_257 = arith.constant 0 : i32
        %dma_start3A_258 = tpu.memref_slice %arg5[%dma_start3A_257] : memref<40064xf32, #tpu.memory_space<vmem>> -> memref<40000xf32, #tpu.memory_space<vmem>>
        tpu.enqueue_dma source(%dma_start3A_258 : memref<40000xf32, #tpu.memory_space<vmem>>) target(%dma_start3A_256 : memref<40000xf32, #tpu.memory_space<hbm>>) target_semaphore(%run_scoped3A : memref<!tpu.dma_semaphore, #tpu.memory_space<semaphore_mem>>)
        %dma_wait3A_259 = arith.constant 0 : i32
        %dma_wait3A_260 = tpu.memref_slice %arg5[%dma_wait3A_259] : memref<40064xf32, #tpu.memory_space<vmem>> -> memref<40000xf32, #tpu.memory_space<vmem>>
        %dma_wait3A_261 = arith.constant 0 : i32
        %dma_wait3A_262 = tpu.memref_slice %arg4[%add3A_12, %dma_wait3A_261] : memref<384x40000xf32, #tpu.memory_space<hbm>> -> memref<1x40000xf32, #tpu.memory_space<hbm>>
        %dma_wait3A_263 = tpu.memref_squeeze %dma_wait3A_262 : memref<1x40000xf32, #tpu.memory_space<hbm>> -> memref<40000xf32, #tpu.memory_space<hbm>>
        %dma_wait3A_264 = arith.constant 0 : i32
        %dma_wait3A_265 = tpu.memref_slice %arg4[%add3A_12, %dma_wait3A_264] : memref<384x40000xf32, #tpu.memory_space<hbm>> -> memref<1x40000xf32, #tpu.memory_space<hbm>>
        %dma_wait3A_266 = tpu.memref_squeeze %dma_wait3A_265 : memref<1x40000xf32, #tpu.memory_space<hbm>> -> memref<40000xf32, #tpu.memory_space<hbm>>
        %dma_wait3A_267 = arith.constant 0 : i32
        %dma_wait3A_268 = tpu.memref_slice %arg5[%dma_wait3A_267] : memref<40064xf32, #tpu.memory_space<vmem>> -> memref<40000xf32, #tpu.memory_space<vmem>>
        tpu.wait_dma2 semaphore(%run_scoped3A : memref<!tpu.dma_semaphore, #tpu.memory_space<semaphore_mem>>) src(%dma_wait3A_268 : memref<40000xf32, #tpu.memory_space<vmem>>) dst(%dma_wait3A_266 : memref<40000xf32, #tpu.memory_space<hbm>>)
        tpu.yield
      }) : () -> ()
      %scan3A_248 = arith.constant 0 : i32
      scf.yield %scan3A_248 : i32
    }
    %scan3A_7 = arith.constant 12 : i32
    return
  }
}

module attributes {stable_mosaic.version = 14 : i64} {
  func.func @_ids_body(%arg0: memref<384x128xi32, #tpu.memory_space<vmem>>, %arg1: memref<384x128xi32, #tpu.memory_space<vmem>>, %arg2: memref<384x128xi32, #tpu.memory_space<vmem>>, %arg3: memref<384x128xi32, #tpu.memory_space<vmem>>, %arg4: memref<384x128xi32, #tpu.memory_space<vmem>>, %arg5: memref<384x128xi32, #tpu.memory_space<vmem>>, %arg6: memref<384x128xi32, #tpu.memory_space<vmem>>) attributes {dimension_semantics = [], scalar_prefetch = 0 : i64, scratch_operands = 0 : i64, tpu.core_type = #tpu.core_type<tc>} {
    %get3A = arith.constant 0 : index
    %get3A_0 = arith.constant 0 : index
    %get3A_1 = vector.load %arg0[%get3A, %get3A_0] : memref<384x128xi32, #tpu.memory_space<vmem>>, vector<384x128xi32>
    %ne3A = arith.constant 0 : i32
    %ne3A_2 = vector.broadcast %ne3A : i32 to vector<384x128xi32>
    %ne3A_3 = arith.cmpi ne, %get3A_1, %ne3A_2 : vector<384x128xi32>
    %get3A_4 = arith.constant 0 : index
    %get3A_5 = arith.constant 0 : index
    %get3A_6 = vector.load %arg1[%get3A_4, %get3A_5] : memref<384x128xi32, #tpu.memory_space<vmem>>, vector<384x128xi32>
    %mul3A = arith.constant 200 : i32
    %mul3A_7 = vector.broadcast %mul3A : i32 to vector<384x128xi32>
    %mul3A_8 = arith.muli %get3A_6, %mul3A_7 : vector<384x128xi32>
    %get3A_9 = arith.constant 0 : index
    %get3A_10 = arith.constant 0 : index
    %get3A_11 = vector.load %arg2[%get3A_9, %get3A_10] : memref<384x128xi32, #tpu.memory_space<vmem>>, vector<384x128xi32>
    %add3A = arith.addi %mul3A_8, %get3A_11 : vector<384x128xi32>
    %jit3A = arith.constant 40000 : i32
    %broadcast_in_dim3A = vector.broadcast %jit3A : i32 to vector<384x128xi32>
    %select_n3A = arith.select %ne3A_3, %add3A, %broadcast_in_dim3A : vector<384x128xi1>, vector<384x128xi32>
    %get3A_12 = arith.constant 0 : index
    %get3A_13 = arith.constant 0 : index
    %get3A_14 = vector.load %arg3[%get3A_12, %get3A_13] : memref<384x128xi32, #tpu.memory_space<vmem>>, vector<384x128xi32>
    %ne3A_15 = arith.constant 0 : i32
    %ne3A_16 = vector.broadcast %ne3A_15 : i32 to vector<384x128xi32>
    %ne3A_17 = arith.cmpi ne, %get3A_14, %ne3A_16 : vector<384x128xi32>
    %get3A_18 = arith.constant 0 : index
    %get3A_19 = arith.constant 0 : index
    %get3A_20 = vector.load %arg4[%get3A_18, %get3A_19] : memref<384x128xi32, #tpu.memory_space<vmem>>, vector<384x128xi32>
    %mul3A_21 = arith.constant 200 : i32
    %mul3A_22 = vector.broadcast %mul3A_21 : i32 to vector<384x128xi32>
    %mul3A_23 = arith.muli %get3A_20, %mul3A_22 : vector<384x128xi32>
    %get3A_24 = arith.constant 0 : index
    %get3A_25 = arith.constant 0 : index
    %get3A_26 = vector.load %arg5[%get3A_24, %get3A_25] : memref<384x128xi32, #tpu.memory_space<vmem>>, vector<384x128xi32>
    %add3A_27 = arith.addi %mul3A_23, %get3A_26 : vector<384x128xi32>
    %jit3A_28 = arith.constant 40000 : i32
    %broadcast_in_dim3A_29 = vector.broadcast %jit3A_28 : i32 to vector<384x128xi32>
    %select_n3A_30 = arith.select %ne3A_17, %add3A_27, %broadcast_in_dim3A_29 : vector<384x128xi1>, vector<384x128xi32>
    %shift_left3A = arith.constant 16 : i32
    %shift_left3A_31 = vector.broadcast %shift_left3A : i32 to vector<384x128xi32>
    %shift_left3A_32 = arith.shli %select_n3A_30, %shift_left3A_31 : vector<384x128xi32>
    %or3A = arith.ori %select_n3A, %shift_left3A_32 : vector<384x128xi32>
    %swap3A = arith.constant 0 : index
    %swap3A_33 = arith.constant 0 : index
    %swap3A_34 = vector.load %arg6[%swap3A, %swap3A_33] : memref<384x128xi32, #tpu.memory_space<vmem>>, vector<384x128xi32>
    tpu.vector_store %arg6[%swap3A, %swap3A_33], %or3A {strides = array<i32>} : memref<384x128xi32, #tpu.memory_space<vmem>>, vector<384x128xi32>,
    return
  }
}

</mosaic_0001>

<sc_bundles>
// kernel: kernel.4.cloned.1.call-start
scs
__scs_entry_jumppad:
0x0: {  	(pc) =	sbr.rel $0x88, $3  }
0x1: {  	(tag) =	ssettag $0x0;
	lr =	simm.s32 $0x1  }
0x2: {  	[smem:$0x3F9D] =	sst lr;
	_ =	strace $0xD0000000  }
0x3: {  	_ = 	snop  }
0x4: {  	_ = 	snop  }
0x5: {  	_ = 	snop  }
0x6: {  	_ = 	snop  }
0x7: {  	_ = 	snop  }
__scs_overlays_trampoline_lowered:
0x8: {  	[smem:$0x3FAC] =	sst s0  }
0x9: {  	[smem:$0x3FAD] =	sst s1  }
0xa: {  	[smem:$0x3FAE] =	sst s2  }
0xb: {  	[smem:$0x3FAF] =	sst s3  }
0xc: {  	[smem:$0x3FB0] =	sst s4  }
0xd: {  	[smem:$0x3FB1] =	sst s5  }
0xe: {  	[smem:$0x3FB2] =	sst s6  }
0xf: {  	[smem:$0x3FB3] =	sst s7  }
0x10: {  	[smem:$0x3FB4] =	sst s8  }
0x11: {  	[smem:$0x3FB5] =	sst s9;
	s0 =	simm.s32 @!p0 $0x0  }
0x12: {  	s1 =	sld [smem:$0x3F9B];
	s0 =	simm.s32 @p0 $0x1  }
0x13: {  	[smem:$0x3FB6] =	sst s0;
	s0 =	simm.s32 @!p1 $0x0  }
0x14: {  	s2 =	sld [smem:$0x3F9A];
	s0 =	simm.s32 @p1 $0x1  }
0x15: {  	[smem:$0x3FB7] =	sst s0;
	s0 =	simm.s32 @!p2 $0x0  }
0x16: {  	s3 =	sld [smem:$0x3FDB];
	s0 =	simm.s32 @p2 $0x1  }
0x17: {  	s4 =	simm.s32 $0x1BF5;
	[smem:$0x3FB9] =	sst s0  }
0x18: {  	s0 =	sld [smem:$0x3F9C];
	_ =	swait.ge [sflag:s4], $0x0  }
0x19: {  	s7 =	sld [smem:$0x3F9D]  }
0x1a: {  	s8 =	sadd.s32 $0xFFFFE003, lr  }
0x1b: {  	s9 =	sadd.s32 $0xFFFFFEF7, lr;
	s5 =	simm.s32 $0xFFFFFFFF;
	p2 =	slt.u32 s8, $0xFFFFF086  }
0x1c: {  	p1 =	slt.u32 s9, $0xF7A;
	s5 =	simm.s32 @!p2 $0x0  }
0x1d: {  	s5 =	simm.s32 @p1 $0x1;
	p0 =	seq.s32 s7, s2  }
0x1e: {  	s7 =	smul.u32 @!p0 $0xF7A, s2;
	p2 =	seq.s32 @!p0 s5, $0x0  }
0x1f: {  	s9 =	smul.u32 $0xF7A, s1;
	s8 =	simm.s32 @!p0 $0x1BF5;
	p2 =	por !p2, p0  }
0x20: {  	[sflag:s8] =	ssyncset.s32 @!p0 $0xFFFFF086;
	s6 =	sadd.s32 @!p0 s3, s7;
	s7 =	simm.s32 @!p0 $0x108  }
0x21: {  	s3 =	sadd.s32 s3, s9;
	s6 =	sadd.s32 @!p0 $0x88, s6;
	s7 =	simm.s32 @p2 $0x1082  }
0x22: {  	[simem:s7], [sflag:s8] =	dma.local @!p0 [hbm:s6], $0xF7A  }
0x23: {  	s9 =	sor.u32 $0xD0000000, s2;
	s6 =	simm.s32 $0x108;
	_ =	swait.ge @!p0 [sflag:s8], $0x0  }
0x24: {  	s3 =	sadd.s32 $0x88, s3;
	s6 =	simm.s32 @!p1 $0x1082;
	[sflag:s4] =	ssyncset.s32 $0xFFFFF086  }
0x25: {  	[simem:s6], [sflag:s4] =	dma.local [hbm:s3], $0xF7A  }
0x26: {  	[smem:$0x3F9D] =	sst s1;
	(tag) =	ssettag s2;
	_ =	strace s9  }
0x27: {  	s1 =	sld [smem:$0x3FAD]  }
0x28: {  	s2 =	sld [smem:$0x3FAE]  }
0x29: {  	s4 =	sld [smem:$0x3FB0]  }
0x2a: {  	p0 =	seq.s32 s5, $0x0;
	s5 =	sld [smem:$0x3FB1]  }
0x2b: {  	s6 =	sld [smem:$0x3FB2]  }
0x2c: {  	s7 =	sld [smem:$0x3FB3]  }
0x2d: {  	s3 =	simm.s32 $0x108;
	s8 =	sld [smem:$0x3FB4]  }
0x2e: {  	s3 =	simm.s32 @!p0 $0x1082;
	s9 =	sld [smem:$0x3FB5]  }
0x2f: {  	lr =	sadd.s32 s0, s3;
	s0 =	sld [smem:$0x3FAC]  }
0x30: {  	s3 =	sld [smem:$0x3FAF]  }
0x31: {  	[smem:$0x3FB8] =	sst s10  }
0x32: {  	s10 =	sld [smem:$0x3FB6];
	_ =	sdelay $0x3  }
0x33: {  	p0 =	seq.s32 s10, $0x1;
	s10 =	sld [smem:$0x3FB8];
	_ =	sdelay $0x3  }
0x34: {  	[smem:$0x3FB8] =	sst s10  }
0x35: {  	s10 =	sld [smem:$0x3FB7];
	_ =	sdelay $0x3  }
0x36: {  	p1 =	seq.s32 s10, $0x1;
	s10 =	sld [smem:$0x3FB8];
	_ =	sdelay $0x3  }
0x37: {  	[smem:$0x3FB8] =	sst s10  }
0x38: {  	s10 =	sld [smem:$0x3FB9]  }
0x39: {  	_ = 	snop;
	(pc) =	sbr.ind lr, $3  }
0x3a: {  	_ = 	snop  }
0x3b: {  	_ = 	snop  }
0x3c: {  	p2 =	seq.s32 s10, $0x1;
	s10 =	sld [smem:$0x3FB8]  }
0x3d: {  	_ =	shalt  }
0x3e: {  	_ =	shalt  }
0x3f: {  	_ =	shalt  }
0x40: {  	_ =	shalt  }
0x41: {  	_ =	shalt  }
0x42: {  	_ =	shalt  }
0x43: {  	_ =	shalt  }
0x44: {  	_ =	shalt  }
0x45: {  	_ =	shalt  }
0x46: {  	_ =	shalt  }
0x47: {  	_ =	shalt  }
0x48: {  	_ =	shalt  }
0x49: {  	_ =	shalt  }
0x4a: {  	_ =	shalt  }
0x4b: {  	_ =	shalt  }
0x4c: {  	_ =	shalt  }
0x4d: {  	_ =	shalt  }
0x4e: {  	_ =	shalt  }
0x4f: {  	_ =	shalt  }
0x50: {  	_ =	shalt  }
0x51: {  	_ =	shalt  }
0x52: {  	_ =	shalt  }
0x53: {  	_ =	shalt  }
0x54: {  	_ =	shalt  }
0x55: {  	_ =	shalt  }
0x56: {  	_ =	shalt  }
0x57: {  	_ =	shalt  }
0x58: {  	_ =	shalt  }
0x59: {  	_ =	shalt  }
0x5a: {  	_ =	shalt  }
0x5b: {  	_ =	shalt  }
0x5c: {  	_ =	shalt  }
0x5d: {  	_ =	shalt  }
0x5e: {  	_ =	shalt  }
0x5f: {  	_ =	shalt  }
0x60: {  	_ =	shalt  }
0x61: {  	_ =	shalt  }
0x62: {  	_ =	shalt  }
0x63: {  	_ =	shalt  }
0x64: {  	_ =	shalt  }
0x65: {  	_ =	shalt  }
0x66: {  	_ =	shalt  }
0x67: {  	_ =	shalt  }
0x68: {  	_ =	shalt  }
0x69: {  	_ =	shalt  }
0x6a: {  	_ =	shalt  }
0x6b: {  	_ =	shalt  }
0x6c: {  	_ =	shalt  }
0x6d: {  	_ =	shalt  }
0x6e: {  	_ =	shalt  }
0x6f: {  	_ =	shalt  }
0x70: {  	_ =	shalt  }
0x71: {  	_ =	shalt  }
0x72: {  	_ =	shalt  }
0x73: {  	_ =	shalt  }
0x74: {  	_ =	shalt  }
0x75: {  	_ =	shalt  }
0x76: {  	_ =	shalt  }
0x77: {  	_ =	shalt  }
0x78: {  	_ =	shalt  }
0x79: {  	_ =	shalt  }
0x7a: {  	_ =	shalt  }
0x7b: {  	_ =	shalt  }
0x7c: {  	_ =	shalt  }
0x7d: {  	_ =	shalt  }
0x7e: {  	_ =	shalt  }
0x7f: {  	_ =	shalt  }
0x80: {  	_ =	shalt  }
0x81: {  	_ =	shalt  }
0x82: {  	_ =	shalt  }
0x83: {  	_ =	shalt  }
0x84: {  	_ =	shalt  }
0x85: {  	_ =	shalt  }
0x86: {  	_ =	shalt  }
0x87: {  	_ =	shalt  }
.Lfunc_end0:
.L_simem_size_0:
called_computation_lowered:
.L_overlay_start_0:
0x88: {  	s2 =	sld [smem:$0x3FD9]  }
0x89: {  	s3 =	sld [smem:$0x3FFE];
	_ =	sdelay $0x1  }
0x8a: {  	s1 =	srdreg.scid  }
0x8b: {  	s0 =	sand.u32 $0x1, s1  }
0x8c: {  	s17 =	sshll.u32 s0, $0xA;
	s2 =	sadd.s32 s3, s2  }
0x8d: {  	s2 =	sadd.s32 s2, s17  }
0x8e: {  	[smem:$0x3FC4] =	sst s2  }
0x8f: {  	_ = 	snop  }
0x90: {  	s2 =	sld [smem:$0x3FC9]  }
0x91: {  	s18 =	sld [smem:$0x3FD0];
	(tm) =	ssettm $0x1  }
0x92: {  	s4 =	sld [smem:$0x3FFB];
	_ =	sdelay $0x3  }
0x93: {  	_ =	strace s4  }
0x94: {  	s4 =	sld [smem:$0x3FFC];
	_ =	sdelay $0x3  }
0x95: {  	_ =	strace s4  }
0x96: {  	s4 =	sld [smem:$0x3FFD];
	_ =	sdelay $0x3  }
0x97: {  	_ =	strace s4  }
0x98: {  	_ =	strace $0x8FFFFFFF  }
0x99: {  	s19 =	sld [smem:$0x3FDB];
	_ =	sdelay $0x1  }
0x9a: {  	s5 =	simm.s32 $_scs_section_size  }
0x9b: {  	s6 =	simm.s32 $_size__tile_overlayer_lowered;
	s7 =	simm.s32 $_tile_overlayer_lowered  }
0x9c: {  	s22 =	simm.s32 $0x1BFF;
	s21 =	sshll.u32 s7, $0x1;
	s4 =	sadd.s32 s5, s19  }
0x9d: {  	s8 =	simm.s32 $0x0;
	s20 =	sshll.u32 s6, $0x1;
	s6 =	sadd.s32 s21, s4  }
0x9e: {  	[timem:s8], [sflag:s22] =	dma.local [hbm:s6], s20  }
0x9f: {  	_ =	swait.ge [sflag:s22], s20  }
0xa0: {  	s5 =	ssub.s32 $0x0, s20;
	[sflag:s22] =	ssyncset.done $0x0  }
0xa1: {  	[sflag:s22] =	ssyncadd.s32 s5;
	_ =	sdelay $0x1  }
0xa2: {  	s23 =	simm.s32 $0x1B8B  }
0xa3: {  	_ =	swait.ge [sflag:s23], $0x1  }
0xa4: {  	[sflag:s23] =	ssyncset.done $0x0  }
0xa5: {  	s25 =	simm.s32 $0x1B8E;
	s24 =	sld [smem:$0x3FFE];
	[sflag:s23] =	ssyncadd.s32 $0xFFFFFFFF  }
0xa6: {  	s26 =	simm.s32 $execute0_lowered;
	[smem:$0x3FD2] =	sst s25  }
0xa7: {  	s6 =	sshll.u32 s26, $0x1;
	_ =	strace $0x80000046;
	[dreg:$0x1] =	wrdreg $0xFFFFFFFF  }
0xa8: {  	s28 =	simm.s32 $_size_execute0_lowered;
	s4 =	sadd.s32 s4, s6;
	[dreg:$0x0] =	wrdreg $0x0  }
0xa9: {  	s6 =	sshll.u32 s28, $0x1;
	[dreg:$0x2] =	wrdreg s4  }
0xaa: {  	[dreg:$0x3] =	wrdreg s6  }
0xab: {  	[dreg:$0x4] =	wrdreg $0xC0  }
0xac: {  	_ =	task [dreg:s8], $0x5FFFF  }
0xad: {  	[dreg:$0x1] =	wrdreg $0xFFFFFFFF  }
0xae: {  	[dreg:$0x0] =	wrdreg $0x60  }
0xaf: {  	[dreg:$0x2] =	wrdreg s2  }
0xb0: {  	[dreg:$0x3] =	wrdreg s18  }
0xb1: {  	[dreg:$0x4] =	wrdreg s24  }
0xb2: {  	[dreg:$0x5] =	wrdreg $0x9  }
0xb3: {  	_ =	task.clear_ibuf [dreg:s8], $0x6FFFF;
	_ =	strace $0x90000046  }
0xb4: {  	s29 =	simm.s32 $0x9;
	_ =	strace $0x80000048  }
0xb5: {  	_ =	swait.ge [sflag:s29], $0x1  }
0xb6: {  	[sflag:s29] =	ssyncadd.s32 $0xFFFFFFFF  }
0xb7: {  	_ =	strace $0x90000048  }
0xb8: {  	_ =	sfence  }
0xb9: {  	s30 =	sld [smem:$0x0];
	_ =	sdelay $0x2  }
0xba: {  	s31 =	sshll.u32 s1, $0xD;
	s1 =	sshrl.u32 s1, $0x2  }
0xbb: {  	s3 =	sand.u32 $0x4000, s31;
	s1 =	sadd.s32 s1, s30  }
0xbc: {  	s0 =	sor.u32 s3, s0;
	s1 =	sshll.u32 s1, $0x11  }
0xbd: {  	s0 =	sor.u32 s1, s0  }
0xbe: {  	s0 =	sadd.s32 $0x8F2B, s0  }
0xbf: {  	[sflag:s0] =	ssyncadd.remote.s32 $0x1  }
0xc0: {  	_ =	sfence.sel $0xFFFF  }
0xc1: {  	[dreg:$0x0] =	wrdreg $0xFFFFFFFF;
	(pc) =	sbr.abs _section_cstart, $3  }
0xc2: {  	[dreg:$0x1] =	wrdreg $0xFFFFFFFF  }
0xc3: {  	_ =	task.clear_ibuf [dreg:s8], $0x2FFFF;
	_ =	strace $0x9FFFFFFF  }
0xc4: {  	(tm) =	ssettm $0x7FFFFFFF  }
0xc5: {  	_ =	shalt  }
tec
execute0_lowered:
.L_overlay_start_1:
0x0: {  	(tag) =	ssettag $0x1  }
0x1: {  	s1 =	rddreg [dreg:$0x0]  }
0x2: {  	s2 =	rddreg [dreg:$0x1]  }
0x3: {  	s3 =	rddreg [dreg:$0x2]  }
0x4: {  	s4 =	srdreg.scid;
	s0 =	rddreg [dreg:$0x3];
	s5 =	simm.s32 $0x0  }
0x5: {  	s10 =	simm.s32 $0x15C80;
	s11 =	simm.s32 $0x19C80;
	s12 =	simm.s32 $0x1  }
0x6: {  	s13 =	simm.s32 $0x2;
	s14 =	simm.s32 $0x0;
	s6 =	sand.u32 $0x1, s4  }
0x7: {  	s4 =	stileid.u32;
	[smem:$0x7FF] =	sst s5;
	s7 =	ssub.s32 $0x2, s6  }
0x8: {  	s9 =	sshll.u32 s4, $0x1;
	_ =	strace $0x80000047;
	s8 =	sshrl.u32 s7, $0x1  }
0x9: {  	s6 =	sor.u32 s6, s9;
	s9 =	simm.s32 $0x3;
	s7 =	ssub.s32 s7, s8  }
0xa: {  	v0 =	vimm.f32 $0.0e+00;
	s6 =	smul.u32 $0xC, s6;
	s8 =	simm.s32 $0x9C80;
	s7 =	smax.u32 s7, $0x1  }
.LBB2_1:
0xb: {  	[tilespmem:s8], [sflag:$0x3] =	stream.linear.gather [hbm4b:s2+s5], $0xC000, $0x38;
	[tilespmem:$0x1DC80] =	vst v63  }
0xc: {  	_ =	swait.ge [sflag:s9], $0xC000  }
0xd: {  	[sflag:s9] =	ssyncset.done $0x0  }
0xe: {  	s15 =	simm.s32 $0x0;
	[sflag:s9] =	ssyncadd.s32 $0xFFFF4000  }
.LBB2_2:
0xf: {  	s16 =	sadd.s32 s6, s15  }
0x10: {  	s17 =	smulhi.u32 $0xAAAAAAAB, s16;
	_ =	sdelay $0x1  }
0x11: {  	s17 =	sshrl.u32 s17, $0x6  }
0x12: {  	s18 =	smul.u32 $0x1FFFA0, s17  }
0x13: {  	s17 =	smul.u32 $0x240, s17  }
0x14: {  	s18 =	sadd.s32 s16, s18  }
0x15: {  	s17 =	sadd.s32 s17, s18  }
0x16: {  	s17 =	sshll.u32 s17, $0xB  }
0x17: {  	s31 =	sand.u32 $0x1FFFF800, s17  }
0x18: {  	s18 =	sadd.s32 s1, s31  }
0x19: {  	[tilespmem:s10], [sflag:$0x1] =	stream.linear.gather [hbm4b:s18+s5], $0x4000, $0x38;
	[tilespmem:$0x1DC80] =	vst v63  }
0x1a: {  	s18 =	simm.s32 $0x40  }
0x1b: {  	[tilespmem:s18+$0xFFFFFFC0] =	vst v0  }
0x1c: {  	[tilespmem:s18+$0x30] =	vst v0  }
0x1d: {  	[tilespmem:s18+$0x20] =	vst v0  }
0x1e: {  	[tilespmem:s18+$0x10] =	vst v0  }
0x1f: {  	[tilespmem:s18+$0x0] =	vst v0  }
0x20: {  	[tilespmem:s18+$0xFFFFFFF0] =	vst v0  }
0x21: {  	s19 =	simm.s32 $0x0;
	[tilespmem:s18+$0xFFFFFFE0] =	vst v0  }
.LBB2_3:
0x22: {  	s19 =	sadd.s32 $0x8, s19;
	[tilespmem:s18+$0xFFFFFFD0] =	vst v0;
	s18 =	sadd.s32 $0x80, s18  }
0x23: {  	[tilespmem:s18+$0xFFFFFFC0] =	vst v0;
	p0 =	slt.u32 s19, $0x9C0  }
0x24: {  	[tilespmem:s18+$0x30] =	vst v0  }
.Ltmp0:
0x25: {  	[tilespmem:s18+$0x20] =	vst v0;
	(pc) =	sbr.rel @p0 .LBB2_3-.Ltmp0, $4  }
0x26: {  	[tilespmem:s18+$0x10] =	vst v0  }
0x27: {  	[tilespmem:s18+$0x0] =	vst v0  }
0x28: {  	[tilespmem:s18+$0xFFFFFFF0] =	vst v0  }
0x29: {  	[tilespmem:s18+$0xFFFFFFE0] =	vst v0  }
0x2a: {  	s19 =	sadd.s32 $0x30000, s17  }
0x2b: {  	s19 =	sand.u32 $0x1FFFF800, s19  }
0x2c: {  	[tilespmem:s18+$0xFFFFFFD0] =	vst v0;
	s30 =	sadd.s32 s1, s19  }
0x2d: {  	[tilespmem:s11], [sflag:$0x2] =	stream.linear.gather [hbm4b:s30+s5], $0x4000, $0x38;
	[tilespmem:$0x1DC80] =	vst v63  }
0x2e: {  	_ =	swait.ge [sflag:s12], $0x4000  }
0x2f: {  	[sflag:s12] =	ssyncset.done $0x0  }
0x30: {  	s31 =	simm.s32 $0x9CC0;
	[sflag:s12] =	ssyncadd.s32 $0xFFFFC000  }
0x31: {  	v1 =	vld [tilespmem:s31+$0x30]  }
0x32: {  	v2 =	vld [tilespmem:s31+$0xFFFFFFD0]  }
0x33: {  	v3 =	vld [tilespmem:s31+$0xFFFFFFE0]  }
0x34: {  	v4 =	vld [tilespmem:s31+$0xFFFFFFF0]  }
0x35: {  	v5 =	vld [tilespmem:s31+$0x0]  }
0x36: {  	v6 =	vld [tilespmem:s31+$0x10]  }
0x37: {  	s18 =	simm.s32 $0x15D00;
	v8 =	vld [tilespmem:s31+$0x20]  }
0x38: {  	v9 =	vld [tilespmem:s18+$0x60]  }
0x39: {  	v10 =	vld [tilespmem:s18+$0x70]  }
0x3a: {  	v11 =	vld [tilespmem:s31+$0xFFFFFFC0]  }
0x3b: {  	v12 =	vld [tilespmem:s18+$0xFFFFFF80]  }
0x3c: {  	v13 =	vld [tilespmem:s18+$0xFFFFFF90]  }
0x3d: {  	v59 =	vld [tilespmem:s18+$0xFFFFFFB0]  }
0x3e: {  	v60 =	vld [tilespmem:s18+$0xFFFFFFC0]  }
0x3f: {  	v61 =	vld [tilespmem:s18+$0xFFFFFFD0]  }
0x40: {  	v14 =	vld [tilespmem:s18+$0xFFFFFFE0]  }
0x41: {  	v16 =	vld [tilespmem:s18+$0xFFFFFFF0];
	v7 =	vand.u32 $0xFFFF, v1  }
0x42: {  	v17 =	vld [tilespmem:s18+$0x0];
	v15 =	vand.u32 $0xFFFF, v11;
	vm0 =	vne.s32 v7, $0x9C40  }
0x43: {  	v19 =	vld [tilespmem:s18+$0x10];
	v1 =	vshrl.u32 v1, $0x10;
	vm14 =	vne.s32 v15, $0x9C40  }
0x44: {  	v20 =	vld [tilespmem:s18+$0x20];
	vm1 =	vne.s32 v1, $0x9C40  }
0x45: {  	v22 =	vld [tilespmem:s18+$0x30];
	v21 =	vand.u32 $0xFFFF, v3  }
0x46: {  	v23 =	vld [tilespmem:s18+$0x40];
	v24 =	vand.u32 $0xFFFF, v4;
	vm4 =	vne.s32 v21, $0x9C40  }
0x47: {  	v25 =	vld [tilespmem:s18+$0x50];
	v11 =	vshrl.u32 v11, $0x10;
	vm6 =	vne.s32 v24, $0x9C40  }
0x48: {  	v3 =	vshrl.u32 v3, $0x10;
	vm15 =	vne.s32 v11, $0x9C40;
	[tilespmem:v7+s5+$0x0] =	vst.idx.add.f32.msk vm0, v9  }
0x49: {  	v18 =	vand.u32 $0xFFFF, v2;
	vm5 =	vne.s32 v3, $0x9C40;
	[tilespmem:v15+s5+$0x0] =	vst.idx.add.f32.msk vm14, v12  }
0x4a: {  	v2 =	vshrl.u32 v2, $0x10;
	vm2 =	vne.s32 v18, $0x9C40;
	[tilespmem:v1+s5+$0x0] =	vst.idx.add.f32.msk vm1, v10  }
0x4b: {  	v62 =	vand.u32 $0xFFFF, v5;
	vm3 =	vne.s32 v2, $0x9C40;
	v1 =	vld [tilespmem:s18+$0xFFFFFFA0]  }
0x4c: {  	v4 =	vshrl.u32 v4, $0x10;
	vm10 =	vne.s32 v62, $0x9C40;
	[tilespmem:v21+s5+$0x0] =	vst.idx.add.f32.msk vm4, v60  }
0x4d: {  	v5 =	vshrl.u32 v5, $0x10;
	vm9 =	vne.s32 v4, $0x9C40;
	[tilespmem:v24+s5+$0x0] =	vst.idx.add.f32.msk vm6, v14  }
0x4e: {  	v63 =	vand.u32 $0xFFFF, v8;
	vm11 =	vne.s32 v5, $0x9C40;
	[tilespmem:v11+s5+$0x0] =	vst.idx.add.f32.msk vm15, v13  }
0x4f: {  	vm14 =	vne.s32 v63, $0x9C40;
	[tilespmem:v3+s5+$0x0] =	vst.idx.add.f32.msk vm5, v61;
	v3 =	vshrl.u32 v8, $0x10  }
0x50: {  	vm15 =	vne.s32 v3, $0x9C40;
	[tilespmem:v18+s5+$0x0] =	vst.idx.add.f32.msk vm2, v1;
	v1 =	vand.u32 $0xFFFF, v6  }
0x51: {  	[tilespmem:v2+s5+$0x0] =	vst.idx.add.f32.msk vm3, v59;
	v2 =	vshrl.u32 v6, $0x10;
	vm12 =	vne.s32 v1, $0x9C40  }
0x52: {  	[tilespmem:v62+s5+$0x0] =	vst.idx.add.f32.msk vm10, v17;
	vm13 =	vne.s32 v2, $0x9C40  }
0x53: {  	[tilespmem:v4+s5+$0x0] =	vst.idx.add.f32.msk vm9, v16  }
0x54: {  	[tilespmem:v5+s5+$0x0] =	vst.idx.add.f32.msk vm11, v19  }
0x55: {  	[tilespmem:v63+s5+$0x0] =	vst.idx.add.f32.msk vm14, v23  }
0x56: {  	[tilespmem:v3+s5+$0x0] =	vst.idx.add.f32.msk vm15, v25  }
0x57: {  	[tilespmem:v1+s5+$0x0] =	vst.idx.add.f32.msk vm12, v20  }
0x58: {  	s20 =	simm.s32 $0x9D40;
	s19 =	simm.s32 $0x0;
	[tilespmem:v2+s5+$0x0] =	vst.idx.add.f32.msk vm13, v22  }
.LBB2_5:
0x59: {  	v1 =	vld [tilespmem:s20+$0x30]  }
0x5a: {  	s19 =	sadd.s32 $0x8, s19;
	v2 =	vld [tilespmem:s20+$0xFFFFFFD0]  }
0x5b: {  	p0 =	slt.u32 s19, $0x1F8;
	v3 =	vld [tilespmem:s20+$0xFFFFFFE0]  }
0x5c: {  	v4 =	vld [tilespmem:s20+$0xFFFFFFF0]  }
0x5d: {  	v5 =	vld [tilespmem:s20+$0x0]  }
0x5e: {  	v6 =	vld [tilespmem:s20+$0x10];
	v7 =	vand.u32 $0xFFFF, v1  }
0x5f: {  	s18 =	sadd.s32 $0x100, s18;
	v1 =	vshrl.u32 v1, $0x10;
	v8 =	vand.u32 $0xFFFF, v2;
	v9 =	vld [tilespmem:s20+$0x20];
	vm2 =	vne.s32 v7, $0x9C40  }
0x60: {  	v2 =	vshrl.u32 v2, $0x10;
	vm9 =	vne.s32 v1, $0x9C40;
	v10 =	vand.u32 $0xFFFF, v3;
	v11 =	vld [tilespmem:s18+$0x60]  }
0x61: {  	v3 =	vshrl.u32 v3, $0x10;
	v12 =	vand.u32 $0xFFFF, v4;
	v4 =	vshrl.u32 v4, $0x10;
	v13 =	vld [tilespmem:s18+$0x70]  }
0x62: {  	vm0 =	vne.s32 v8, $0x9C40;
	v14 =	vld [tilespmem:s20+$0xFFFFFFC0];
	v15 =	vand.u32 $0xFFFF, v5;
	v5 =	vshrl.u32 v5, $0x10  }
0x63: {  	vm1 =	vne.s32 v2, $0x9C40;
	v16 =	vld [tilespmem:s18+$0xFFFFFF80];
	v17 =	vand.u32 $0xFFFF, v6;
	v6 =	vshrl.u32 v6, $0x10  }
0x64: {  	vm3 =	vne.s32 v10, $0x9C40;
	v18 =	vld [tilespmem:s18+$0xFFFFFF90];
	v19 =	vand.u32 $0xFFFF, v9;
	v9 =	vshrl.u32 v9, $0x10  }
0x65: {  	vm8 =	vne.s32 v3, $0x9C40;
	vm6 =	vne.s32 v12, $0x9C40;
	vm4 =	vne.s32 v4, $0x9C40;
	[tilespmem:v7+s5+$0x0] =	vst.idx.add.f32.msk vm2, v11  }
0x66: {  	vm7 =	vne.s32 v15, $0x9C40;
	vm5 =	vne.s32 v5, $0x9C40;
	vm2 =	vne.s32 v17, $0x9C40;
	[tilespmem:v1+s5+$0x0] =	vst.idx.add.f32.msk vm9, v13  }
0x67: {  	vm9 =	vne.s32 v6, $0x9C40;
	v1 =	vand.u32 $0xFFFF, v14;
	v7 =	vshrl.u32 v14, $0x10;
	v11 =	vld [tilespmem:s18+$0xFFFFFFA0]  }
0x68: {  	vm10 =	vne.s32 v19, $0x9C40;
	vm12 =	vne.s32 v1, $0x9C40;
	vm13 =	vne.s32 v7, $0x9C40;
	v13 =	vld [tilespmem:s18+$0xFFFFFFB0]  }
0x69: {  	vm11 =	vne.s32 v9, $0x9C40;
	v14 =	vld [tilespmem:s18+$0xFFFFFFC0]  }
0x6a: {  	v20 =	vld [tilespmem:s18+$0xFFFFFFD0]  }
0x6b: {  	v21 =	vld [tilespmem:s18+$0xFFFFFFE0]  }
0x6c: {  	v22 =	vld [tilespmem:s18+$0xFFFFFFF0]  }
0x6d: {  	v23 =	vld [tilespmem:s18+$0x0]  }
0x6e: {  	v24 =	vld [tilespmem:s18+$0x10]  }
0x6f: {  	v25 =	vld [tilespmem:s18+$0x20]  }
0x70: {  	v26 =	vld [tilespmem:s18+$0x30]  }
0x71: {  	v27 =	vld [tilespmem:s18+$0x40]  }
0x72: {  	v28 =	vld [tilespmem:s18+$0x50]  }
0x73: {  	[tilespmem:v1+s5+$0x0] =	vst.idx.add.f32.msk vm12, v16  }
0x74: {  	[tilespmem:v7+s5+$0x0] =	vst.idx.add.f32.msk vm13, v18  }
0x75: {  	[tilespmem:v8+s5+$0x0] =	vst.idx.add.f32.msk vm0, v11  }
0x76: {  	[tilespmem:v2+s5+$0x0] =	vst.idx.add.f32.msk vm1, v13  }
0x77: {  	[tilespmem:v10+s5+$0x0] =	vst.idx.add.f32.msk vm3, v14  }
0x78: {  	[tilespmem:v3+s5+$0x0] =	vst.idx.add.f32.msk vm8, v20  }
0x79: {  	[tilespmem:v12+s5+$0x0] =	vst.idx.add.f32.msk vm6, v21  }
0x7a: {  	[tilespmem:v4+s5+$0x0] =	vst.idx.add.f32.msk vm4, v22  }
0x7b: {  	[tilespmem:v15+s5+$0x0] =	vst.idx.add.f32.msk vm7, v23  }
.Ltmp1:
0x7c: {  	[tilespmem:v5+s5+$0x0] =	vst.idx.add.f32.msk vm5, v24;
	(pc) =	sbr.rel @p0 .LBB2_5-.Ltmp1, $4  }
0x7d: {  	[tilespmem:v17+s5+$0x0] =	vst.idx.add.f32.msk vm2, v25  }
0x7e: {  	[tilespmem:v6+s5+$0x0] =	vst.idx.add.f32.msk vm9, v26  }
0x7f: {  	[tilespmem:v19+s5+$0x0] =	vst.idx.add.f32.msk vm10, v27  }
0x80: {  	s20 =	sadd.s32 $0x80, s20;
	[tilespmem:v9+s5+$0x0] =	vst.idx.add.f32.msk vm11, v28  }
0x81: {  	s18 =	sadd.s32 $0x60000, s17  }
0x82: {  	s18 =	sand.u32 $0x1FFFF800, s18  }
0x83: {  	s18 =	sadd.s32 s1, s18  }
0x84: {  	[tilespmem:s10], [sflag:$0x1] =	stream.linear.gather [hbm4b:s18+s5], $0x4000, $0x38;
	[tilespmem:$0x1DC80] =	vst v63  }
0x85: {  	_ =	swait.ge [sflag:s13], $0x4000  }
0x86: {  	[sflag:s13] =	ssyncset.done $0x0  }
0x87: {  	s19 =	simm.s32 $0xBCF0;
	[sflag:s13] =	ssyncadd.s32 $0xFFFFC000  }
0x88: {  	v1 =	vld [tilespmem:s19+$0x0]  }
0x89: {  	v2 =	vld [tilespmem:s19+$0xFFFFFFA0]  }
0x8a: {  	v3 =	vld [tilespmem:s19+$0xFFFFFFB0]  }
0x8b: {  	v4 =	vld [tilespmem:s19+$0xFFFFFFC0]  }
0x8c: {  	v5 =	vld [tilespmem:s19+$0xFFFFFFD0]  }
0x8d: {  	v6 =	vld [tilespmem:s19+$0xFFFFFFE0]  }
0x8e: {  	s18 =	simm.s32 $0x19D70;
	v8 =	vld [tilespmem:s19+$0xFFFFFFF0]  }
0x8f: {  	v9 =	vld [tilespmem:s18+$0xFFFFFFF0]  }
0x90: {  	v10 =	vld [tilespmem:s18+$0x0]  }
0x91: {  	v11 =	vld [tilespmem:s19+$0xFFFFFF90]  }
0x92: {  	v12 =	vld [tilespmem:s18+$0xFFFFFF10]  }
0x93: {  	v13 =	vld [tilespmem:s18+$0xFFFFFF20]  }
0x94: {  	v59 =	vld [tilespmem:s18+$0xFFFFFF40]  }
0x95: {  	v60 =	vld [tilespmem:s18+$0xFFFFFF50]  }
0x96: {  	v61 =	vld [tilespmem:s18+$0xFFFFFF60]  }
0x97: {  	v14 =	vld [tilespmem:s18+$0xFFFFFF70]  }
0x98: {  	v16 =	vld [tilespmem:s18+$0xFFFFFF80];
	v7 =	vand.u32 $0xFFFF, v1  }
0x99: {  	v17 =	vld [tilespmem:s18+$0xFFFFFF90];
	v15 =	vand.u32 $0xFFFF, v11;
	vm0 =	vne.s32 v7, $0x9C40  }
0x9a: {  	v19 =	vld [tilespmem:s18+$0xFFFFFFA0];
	v1 =	vshrl.u32 v1, $0x10;
	vm14 =	vne.s32 v15, $0x9C40  }
0x9b: {  	v20 =	vld [tilespmem:s18+$0xFFFFFFB0];
	vm1 =	vne.s32 v1, $0x9C40  }
0x9c: {  	v22 =	vld [tilespmem:s18+$0xFFFFFFC0];
	v21 =	vand.u32 $0xFFFF, v3  }
0x9d: {  	v23 =	vld [tilespmem:s18+$0xFFFFFFD0];
	v24 =	vand.u32 $0xFFFF, v4;
	vm4 =	vne.s32 v21, $0x9C40  }
0x9e: {  	v25 =	vld [tilespmem:s18+$0xFFFFFFE0];
	v11 =	vshrl.u32 v11, $0x10;
	vm6 =	vne.s32 v24, $0x9C40  }
0x9f: {  	v3 =	vshrl.u32 v3, $0x10;
	vm15 =	vne.s32 v11, $0x9C40;
	[tilespmem:v7+s5+$0x0] =	vst.idx.add.f32.msk vm0, v9  }
0xa0: {  	v18 =	vand.u32 $0xFFFF, v2;
	vm5 =	vne.s32 v3, $0x9C40;
	[tilespmem:v15+s5+$0x0] =	vst.idx.add.f32.msk vm14, v12  }
0xa1: {  	v2 =	vshrl.u32 v2, $0x10;
	vm2 =	vne.s32 v18, $0x9C40;
	[tilespmem:v1+s5+$0x0] =	vst.idx.add.f32.msk vm1, v10  }
0xa2: {  	v62 =	vand.u32 $0xFFFF, v5;
	vm3 =	vne.s32 v2, $0x9C40;
	v1 =	vld [tilespmem:s18+$0xFFFFFF30]  }
0xa3: {  	v4 =	vshrl.u32 v4, $0x10;
	vm10 =	vne.s32 v62, $0x9C40;
	[tilespmem:v21+s5+$0x0] =	vst.idx.add.f32.msk vm4, v60  }
0xa4: {  	v5 =	vshrl.u32 v5, $0x10;
	vm9 =	vne.s32 v4, $0x9C40;
	[tilespmem:v24+s5+$0x0] =	vst.idx.add.f32.msk vm6, v14  }
0xa5: {  	v63 =	vand.u32 $0xFFFF, v8;
	vm11 =	vne.s32 v5, $0x9C40;
	[tilespmem:v11+s5+$0x0] =	vst.idx.add.f32.msk vm15, v13  }
0xa6: {  	vm14 =	vne.s32 v63, $0x9C40;
	[tilespmem:v3+s5+$0x0] =	vst.idx.add.f32.msk vm5, v61;
	v3 =	vshrl.u32 v8, $0x10  }
0xa7: {  	vm15 =	vne.s32 v3, $0x9C40;
	[tilespmem:v18+s5+$0x0] =	vst.idx.add.f32.msk vm2, v1;
	v1 =	vand.u32 $0xFFFF, v6  }
0xa8: {  	[tilespmem:v2+s5+$0x0] =	vst.idx.add.f32.msk vm3, v59;
	v2 =	vshrl.u32 v6, $0x10;
	vm12 =	vne.s32 v1, $0x9C40  }
0xa9: {  	[tilespmem:v62+s5+$0x0] =	vst.idx.add.f32.msk vm10, v17;
	vm13 =	vne.s32 v2, $0x9C40  }
0xaa: {  	[tilespmem:v4+s5+$0x0] =	vst.idx.add.f32.msk vm9, v16  }
0xab: {  	[tilespmem:v5+s5+$0x0] =	vst.idx.add.f32.msk vm11, v19  }
0xac: {  	[tilespmem:v63+s5+$0x0] =	vst.idx.add.f32.msk vm14, v23  }
0xad: {  	[tilespmem:v3+s5+$0x0] =	vst.idx.add.f32.msk vm15, v25  }
0xae: {  	[tilespmem:v1+s5+$0x0] =	vst.idx.add.f32.msk vm12, v20  }
0xaf: {  	s20 =	simm.s32 $0xBD70;
	s19 =	simm.s32 $0x0;
	[tilespmem:v2+s5+$0x0] =	vst.idx.add.f32.msk vm13, v22  }
.LBB2_7:
0xb0: {  	v1 =	vld [tilespmem:s20+$0x0]  }
0xb1: {  	s19 =	sadd.s32 $0x8, s19;
	v2 =	vld [tilespmem:s20+$0xFFFFFFA0]  }
0xb2: {  	p0 =	slt.u32 s19, $0x1F8;
	v3 =	vld [tilespmem:s20+$0xFFFFFFB0]  }
0xb3: {  	v4 =	vld [tilespmem:s20+$0xFFFFFFC0]  }
0xb4: {  	v5 =	vld [tilespmem:s20+$0xFFFFFFD0]  }
0xb5: {  	v6 =	vld [tilespmem:s20+$0xFFFFFFE0];
	v7 =	vand.u32 $0xFFFF, v1  }
0xb6: {  	s18 =	sadd.s32 $0x100, s18;
	v1 =	vshrl.u32 v1, $0x10;
	v8 =	vand.u32 $0xFFFF, v2;
	v9 =	vld [tilespmem:s20+$0xFFFFFFF0];
	vm2 =	vne.s32 v7, $0x9C40  }
0xb7: {  	v2 =	vshrl.u32 v2, $0x10;
	vm9 =	vne.s32 v1, $0x9C40;
	v10 =	vand.u32 $0xFFFF, v3;
	v11 =	vld [tilespmem:s18+$0xFFFFFFF0]  }
0xb8: {  	v3 =	vshrl.u32 v3, $0x10;
	v12 =	vand.u32 $0xFFFF, v4;
	v4 =	vshrl.u32 v4, $0x10;
	v13 =	vld [tilespmem:s18+$0x0]  }
0xb9: {  	vm0 =	vne.s32 v8, $0x9C40;
	v14 =	vld [tilespmem:s20+$0xFFFFFF90];
	v15 =	vand.u32 $0xFFFF, v5;
	v5 =	vshrl.u32 v5, $0x10  }
0xba: {  	vm1 =	vne.s32 v2, $0x9C40;
	v16 =	vld [tilespmem:s18+$0xFFFFFF10];
	v17 =	vand.u32 $0xFFFF, v6;
	v6 =	vshrl.u32 v6, $0x10  }
0xbb: {  	vm3 =	vne.s32 v10, $0x9C40;
	v18 =	vld [tilespmem:s18+$0xFFFFFF20];
	v19 =	vand.u32 $0xFFFF, v9;
	v9 =	vshrl.u32 v9, $0x10  }
0xbc: {  	vm8 =	vne.s32 v3, $0x9C40;
	vm6 =	vne.s32 v12, $0x9C40;
	vm4 =	vne.s32 v4, $0x9C40;
	[tilespmem:v7+s5+$0x0] =	vst.idx.add.f32.msk vm2, v11  }
0xbd: {  	vm7 =	vne.s32 v15, $0x9C40;
	vm5 =	vne.s32 v5, $0x9C40;
	vm2 =	vne.s32 v17, $0x9C40;
	[tilespmem:v1+s5+$0x0] =	vst.idx.add.f32.msk vm9, v13  }
0xbe: {  	vm9 =	vne.s32 v6, $0x9C40;
	v1 =	vand.u32 $0xFFFF, v14;
	v7 =	vshrl.u32 v14, $0x10;
	v11 =	vld [tilespmem:s18+$0xFFFFFF30]  }
0xbf: {  	vm10 =	vne.s32 v19, $0x9C40;
	vm12 =	vne.s32 v1, $0x9C40;
	vm13 =	vne.s32 v7, $0x9C40;
	v13 =	vld [tilespmem:s18+$0xFFFFFF40]  }
0xc0: {  	vm11 =	vne.s32 v9, $0x9C40;
	v14 =	vld [tilespmem:s18+$0xFFFFFF50]  }
0xc1: {  	v20 =	vld [tilespmem:s18+$0xFFFFFF60]  }
0xc2: {  	v21 =	vld [tilespmem:s18+$0xFFFFFF70]  }
0xc3: {  	v22 =	vld [tilespmem:s18+$0xFFFFFF80]  }
0xc4: {  	v23 =	vld [tilespmem:s18+$0xFFFFFF90]  }
0xc5: {  	v24 =	vld [tilespmem:s18+$0xFFFFFFA0]  }
0xc6: {  	v25 =	vld [tilespmem:s18+$0xFFFFFFB0]  }
0xc7: {  	v26 =	vld [tilespmem:s18+$0xFFFFFFC0]  }
0xc8: {  	v27 =	vld [tilespmem:s18+$0xFFFFFFD0]  }
0xc9: {  	v28 =	vld [tilespmem:s18+$0xFFFFFFE0]  }
0xca: {  	[tilespmem:v1+s5+$0x0] =	vst.idx.add.f32.msk vm12, v16  }
0xcb: {  	[tilespmem:v7+s5+$0x0] =	vst.idx.add.f32.msk vm13, v18  }
0xcc: {  	[tilespmem:v8+s5+$0x0] =	vst.idx.add.f32.msk vm0, v11  }
0xcd: {  	[tilespmem:v2+s5+$0x0] =	vst.idx.add.f32.msk vm1, v13  }
0xce: {  	[tilespmem:v10+s5+$0x0] =	vst.idx.add.f32.msk vm3, v14  }
0xcf: {  	[tilespmem:v3+s5+$0x0] =	vst.idx.add.f32.msk vm8, v20  }
0xd0: {  	[tilespmem:v12+s5+$0x0] =	vst.idx.add.f32.msk vm6, v21  }
0xd1: {  	[tilespmem:v4+s5+$0x0] =	vst.idx.add.f32.msk vm4, v22  }
0xd2: {  	[tilespmem:v15+s5+$0x0] =	vst.idx.add.f32.msk vm7, v23  }
.Ltmp2:
0xd3: {  	[tilespmem:v5+s5+$0x0] =	vst.idx.add.f32.msk vm5, v24;
	(pc) =	sbr.rel @p0 .LBB2_7-.Ltmp2, $4  }
0xd4: {  	[tilespmem:v17+s5+$0x0] =	vst.idx.add.f32.msk vm2, v25  }
0xd5: {  	[tilespmem:v6+s5+$0x0] =	vst.idx.add.f32.msk vm9, v26  }
0xd6: {  	[tilespmem:v19+s5+$0x0] =	vst.idx.add.f32.msk vm10, v27  }
0xd7: {  	s20 =	sadd.s32 $0x80, s20;
	[tilespmem:v9+s5+$0x0] =	vst.idx.add.f32.msk vm11, v28  }
0xd8: {  	s18 =	sadd.s32 $0x90000, s17  }
0xd9: {  	s18 =	sand.u32 $0x1FFFF800, s18  }
0xda: {  	s18 =	sadd.s32 s1, s18  }
0xdb: {  	[tilespmem:s11], [sflag:$0x2] =	stream.linear.gather [hbm4b:s18+s5], $0x4000, $0x38;
	[tilespmem:$0x1DC80] =	vst v63  }
0xdc: {  	_ =	swait.ge [sflag:s12], $0x4000  }
0xdd: {  	[sflag:s12] =	ssyncset.done $0x0  }
0xde: {  	s19 =	simm.s32 $0xDCF0;
	[sflag:s12] =	ssyncadd.s32 $0xFFFFC000  }
0xdf: {  	v1 =	vld [tilespmem:s19+$0x0]  }
0xe0: {  	v2 =	vld [tilespmem:s19+$0xFFFFFFA0]  }
0xe1: {  	v3 =	vld [tilespmem:s19+$0xFFFFFFB0]  }
0xe2: {  	v4 =	vld [tilespmem:s19+$0xFFFFFFC0]  }
0xe3: {  	v5 =	vld [tilespmem:s19+$0xFFFFFFD0]  }
0xe4: {  	v6 =	vld [tilespmem:s19+$0xFFFFFFE0]  }
0xe5: {  	s18 =	simm.s32 $0x15D00;
	v8 =	vld [tilespmem:s19+$0xFFFFFFF0]  }
0xe6: {  	v9 =	vld [tilespmem:s18+$0x60]  }
0xe7: {  	v10 =	vld [tilespmem:s18+$0x70]  }
0xe8: {  	v11 =	vld [tilespmem:s19+$0xFFFFFF90]  }
0xe9: {  	v12 =	vld [tilespmem:s18+$0xFFFFFF80]  }
0xea: {  	v13 =	vld [tilespmem:s18+$0xFFFFFF90]  }
0xeb: {  	v59 =	vld [tilespmem:s18+$0xFFFFFFB0]  }
0xec: {  	v60 =	vld [tilespmem:s18+$0xFFFFFFC0]  }
0xed: {  	v61 =	vld [tilespmem:s18+$0xFFFFFFD0]  }
0xee: {  	v14 =	vld [tilespmem:s18+$0xFFFFFFE0]  }
0xef: {  	v16 =	vld [tilespmem:s18+$0xFFFFFFF0];
	v7 =	vand.u32 $0xFFFF, v1  }
0xf0: {  	v17 =	vld [tilespmem:s18+$0x0];
	v15 =	vand.u32 $0xFFFF, v11;
	vm0 =	vne.s32 v7, $0x9C40  }
0xf1: {  	v19 =	vld [tilespmem:s18+$0x10];
	v1 =	vshrl.u32 v1, $0x10;
	vm14 =	vne.s32 v15, $0x9C40  }
0xf2: {  	v20 =	vld [tilespmem:s18+$0x20];
	vm1 =	vne.s32 v1, $0x9C40  }
0xf3: {  	v22 =	vld [tilespmem:s18+$0x30];
	v21 =	vand.u32 $0xFFFF, v3  }
0xf4: {  	v23 =	vld [tilespmem:s18+$0x40];
	v24 =	vand.u32 $0xFFFF, v4;
	vm4 =	vne.s32 v21, $0x9C40  }
0xf5: {  	v25 =	vld [tilespmem:s18+$0x50];
	v11 =	vshrl.u32 v11, $0x10;
	vm6 =	vne.s32 v24, $0x9C40  }
0xf6: {  	v3 =	vshrl.u32 v3, $0x10;
	vm15 =	vne.s32 v11, $0x9C40;
	[tilespmem:v7+s5+$0x0] =	vst.idx.add.f32.msk vm0, v9  }
0xf7: {  	v18 =	vand.u32 $0xFFFF, v2;
	vm5 =	vne.s32 v3, $0x9C40;
	[tilespmem:v15+s5+$0x0] =	vst.idx.add.f32.msk vm14, v12  }
0xf8: {  	v2 =	vshrl.u32 v2, $0x10;
	vm2 =	vne.s32 v18, $0x9C40;
	[tilespmem:v1+s5+$0x0] =	vst.idx.add.f32.msk vm1, v10  }
0xf9: {  	v62 =	vand.u32 $0xFFFF, v5;
	vm3 =	vne.s32 v2, $0x9C40;
	v1 =	vld [tilespmem:s18+$0xFFFFFFA0]  }
0xfa: {  	v4 =	vshrl.u32 v4, $0x10;
	vm10 =	vne.s32 v62, $0x9C40;
	[tilespmem:v21+s5+$0x0] =	vst.idx.add.f32.msk vm4, v60  }
0xfb: {  	v5 =	vshrl.u32 v5, $0x10;
	vm9 =	vne.s32 v4, $0x9C40;
	[tilespmem:v24+s5+$0x0] =	vst.idx.add.f32.msk vm6, v14  }
0xfc: {  	v63 =	vand.u32 $0xFFFF, v8;
	vm11 =	vne.s32 v5, $0x9C40;
	[tilespmem:v11+s5+$0x0] =	vst.idx.add.f32.msk vm15, v13  }
0xfd: {  	vm14 =	vne.s32 v63, $0x9C40;
	[tilespmem:v3+s5+$0x0] =	vst.idx.add.f32.msk vm5, v61;
	v3 =	vshrl.u32 v8, $0x10  }
0xfe: {  	vm15 =	vne.s32 v3, $0x9C40;
	[tilespmem:v18+s5+$0x0] =	vst.idx.add.f32.msk vm2, v1;
	v1 =	vand.u32 $0xFFFF, v6  }
0xff: {  	[tilespmem:v2+s5+$0x0] =	vst.idx.add.f32.msk vm3, v59;
	v2 =	vshrl.u32 v6, $0x10;
	vm12 =	vne.s32 v1, $0x9C40  }
0x100: {  	[tilespmem:v62+s5+$0x0] =	vst.idx.add.f32.msk vm10, v17;
	vm13 =	vne.s32 v2, $0x9C40  }
0x101: {  	[tilespmem:v4+s5+$0x0] =	vst.idx.add.f32.msk vm9, v16  }
0x102: {  	[tilespmem:v5+s5+$0x0] =	vst.idx.add.f32.msk vm11, v19  }
0x103: {  	[tilespmem:v63+s5+$0x0] =	vst.idx.add.f32.msk vm14, v23  }
0x104: {  	[tilespmem:v3+s5+$0x0] =	vst.idx.add.f32.msk vm15, v25  }
0x105: {  	[tilespmem:v1+s5+$0x0] =	vst.idx.add.f32.msk vm12, v20  }
0x106: {  	s20 =	simm.s32 $0xDD70;
	s19 =	simm.s32 $0x0;
	[tilespmem:v2+s5+$0x0] =	vst.idx.add.f32.msk vm13, v22  }
.LBB2_9:
0x107: {  	v1 =	vld [tilespmem:s20+$0x0]  }
0x108: {  	s19 =	sadd.s32 $0x8, s19;
	v2 =	vld [tilespmem:s20+$0xFFFFFFA0]  }
0x109: {  	p0 =	slt.u32 s19, $0x1F8;
	v3 =	vld [tilespmem:s20+$0xFFFFFFB0]  }
0x10a: {  	v4 =	vld [tilespmem:s20+$0xFFFFFFC0]  }
0x10b: {  	v5 =	vld [tilespmem:s20+$0xFFFFFFD0]  }
0x10c: {  	v6 =	vld [tilespmem:s20+$0xFFFFFFE0];
	v7 =	vand.u32 $0xFFFF, v1  }
0x10d: {  	s18 =	sadd.s32 $0x100, s18;
	v1 =	vshrl.u32 v1, $0x10;
	v8 =	vand.u32 $0xFFFF, v2;
	v9 =	vld [tilespmem:s20+$0xFFFFFFF0];
	vm2 =	vne.s32 v7, $0x9C40  }
0x10e: {  	v2 =	vshrl.u32 v2, $0x10;
	vm9 =	vne.s32 v1, $0x9C40;
	v10 =	vand.u32 $0xFFFF, v3;
	v11 =	vld [tilespmem:s18+$0x60]  }
0x10f: {  	v3 =	vshrl.u32 v3, $0x10;
	v12 =	vand.u32 $0xFFFF, v4;
	v4 =	vshrl.u32 v4, $0x10;
	v13 =	vld [tilespmem:s18+$0x70]  }
0x110: {  	vm0 =	vne.s32 v8, $0x9C40;
	v14 =	vld [tilespmem:s20+$0xFFFFFF90];
	v15 =	vand.u32 $0xFFFF, v5;
	v5 =	vshrl.u32 v5, $0x10  }
0x111: {  	vm1 =	vne.s32 v2, $0x9C40;
	v16 =	vld [tilespmem:s18+$0xFFFFFF80];
	v17 =	vand.u32 $0xFFFF, v6;
	v6 =	vshrl.u32 v6, $0x10  }
0x112: {  	vm3 =	vne.s32 v10, $0x9C40;
	v18 =	vld [tilespmem:s18+$0xFFFFFF90];
	v19 =	vand.u32 $0xFFFF, v9;
	v9 =	vshrl.u32 v9, $0x10  }
0x113: {  	vm8 =	vne.s32 v3, $0x9C40;
	vm6 =	vne.s32 v12, $0x9C40;
	vm4 =	vne.s32 v4, $0x9C40;
	[tilespmem:v7+s5+$0x0] =	vst.idx.add.f32.msk vm2, v11  }
0x114: {  	vm7 =	vne.s32 v15, $0x9C40;
	vm5 =	vne.s32 v5, $0x9C40;
	vm2 =	vne.s32 v17, $0x9C40;
	[tilespmem:v1+s5+$0x0] =	vst.idx.add.f32.msk vm9, v13  }
0x115: {  	vm9 =	vne.s32 v6, $0x9C40;
	v1 =	vand.u32 $0xFFFF, v14;
	v7 =	vshrl.u32 v14, $0x10;
	v11 =	vld [tilespmem:s18+$0xFFFFFFA0]  }
0x116: {  	vm10 =	vne.s32 v19, $0x9C40;
	vm12 =	vne.s32 v1, $0x9C40;
	vm13 =	vne.s32 v7, $0x9C40;
	v13 =	vld [tilespmem:s18+$0xFFFFFFB0]  }
0x117: {  	vm11 =	vne.s32 v9, $0x9C40;
	v14 =	vld [tilespmem:s18+$0xFFFFFFC0]  }
0x118: {  	v20 =	vld [tilespmem:s18+$0xFFFFFFD0]  }
0x119: {  	v21 =	vld [tilespmem:s18+$0xFFFFFFE0]  }
0x11a: {  	v22 =	vld [tilespmem:s18+$0xFFFFFFF0]  }
0x11b: {  	v23 =	vld [tilespmem:s18+$0x0]  }
0x11c: {  	v24 =	vld [tilespmem:s18+$0x10]  }
0x11d: {  	v25 =	vld [tilespmem:s18+$0x20]  }
0x11e: {  	v26 =	vld [tilespmem:s18+$0x30]  }
0x11f: {  	v27 =	vld [tilespmem:s18+$0x40]  }
0x120: {  	v28 =	vld [tilespmem:s18+$0x50]  }
0x121: {  	[tilespmem:v1+s5+$0x0] =	vst.idx.add.f32.msk vm12, v16  }
0x122: {  	[tilespmem:v7+s5+$0x0] =	vst.idx.add.f32.msk vm13, v18  }
0x123: {  	[tilespmem:v8+s5+$0x0] =	vst.idx.add.f32.msk vm0, v11  }
0x124: {  	[tilespmem:v2+s5+$0x0] =	vst.idx.add.f32.msk vm1, v13  }
0x125: {  	[tilespmem:v10+s5+$0x0] =	vst.idx.add.f32.msk vm3, v14  }
0x126: {  	[tilespmem:v3+s5+$0x0] =	vst.idx.add.f32.msk vm8, v20  }
0x127: {  	[tilespmem:v12+s5+$0x0] =	vst.idx.add.f32.msk vm6, v21  }
0x128: {  	[tilespmem:v4+s5+$0x0] =	vst.idx.add.f32.msk vm4, v22  }
0x129: {  	[tilespmem:v15+s5+$0x0] =	vst.idx.add.f32.msk vm7, v23  }
.Ltmp3:
0x12a: {  	[tilespmem:v5+s5+$0x0] =	vst.idx.add.f32.msk vm5, v24;
	(pc) =	sbr.rel @p0 .LBB2_9-.Ltmp3, $4  }
0x12b: {  	[tilespmem:v17+s5+$0x0] =	vst.idx.add.f32.msk vm2, v25  }
0x12c: {  	[tilespmem:v6+s5+$0x0] =	vst.idx.add.f32.msk vm9, v26  }
0x12d: {  	[tilespmem:v19+s5+$0x0] =	vst.idx.add.f32.msk vm10, v27  }
0x12e: {  	s20 =	sadd.s32 $0x80, s20;
	[tilespmem:v9+s5+$0x0] =	vst.idx.add.f32.msk vm11, v28  }
0x12f: {  	s18 =	sadd.s32 $0xC0000, s17  }
0x130: {  	s18 =	sand.u32 $0x1FFFF800, s18  }
0x131: {  	s18 =	sadd.s32 s1, s18  }
0x132: {  	[tilespmem:s10], [sflag:$0x1] =	stream.linear.gather [hbm4b:s18+s5], $0x4000, $0x38;
	[tilespmem:$0x1DC80] =	vst v63  }
0x133: {  	_ =	swait.ge [sflag:s13], $0x4000  }
0x134: {  	[sflag:s13] =	ssyncset.done $0x0  }
0x135: {  	s19 =	simm.s32 $0xFCF0;
	[sflag:s13] =	ssyncadd.s32 $0xFFFFC000  }
0x136: {  	v1 =	vld [tilespmem:s19+$0x0]  }
0x137: {  	v2 =	vld [tilespmem:s19+$0xFFFFFFA0]  }
0x138: {  	v3 =	vld [tilespmem:s19+$0xFFFFFFB0]  }
0x139: {  	v4 =	vld [tilespmem:s19+$0xFFFFFFC0]  }
0x13a: {  	v5 =	vld [tilespmem:s19+$0xFFFFFFD0]  }
0x13b: {  	v6 =	vld [tilespmem:s19+$0xFFFFFFE0]  }
0x13c: {  	s18 =	simm.s32 $0x19D70;
	v8 =	vld [tilespmem:s19+$0xFFFFFFF0]  }
0x13d: {  	v9 =	vld [tilespmem:s18+$0xFFFFFFF0]  }
0x13e: {  	v10 =	vld [tilespmem:s18+$0x0]  }
0x13f: {  	v11 =	vld [tilespmem:s19+$0xFFFFFF90]  }
0x140: {  	v12 =	vld [tilespmem:s18+$0xFFFFFF10]  }
0x141: {  	v13 =	vld [tilespmem:s18+$0xFFFFFF20]  }
0x142: {  	v59 =	vld [tilespmem:s18+$0xFFFFFF40]  }
0x143: {  	v60 =	vld [tilespmem:s18+$0xFFFFFF50]  }
0x144: {  	v61 =	vld [tilespmem:s18+$0xFFFFFF60]  }
0x145: {  	v14 =	vld [tilespmem:s18+$0xFFFFFF70]  }
0x146: {  	v16 =	vld [tilespmem:s18+$0xFFFFFF80];
	v7 =	vand.u32 $0xFFFF, v1  }
0x147: {  	v17 =	vld [tilespmem:s18+$0xFFFFFF90];
	v15 =	vand.u32 $0xFFFF, v11;
	vm0 =	vne.s32 v7, $0x9C40  }
0x148: {  	v19 =	vld [tilespmem:s18+$0xFFFFFFA0];
	v1 =	vshrl.u32 v1, $0x10;
	vm14 =	vne.s32 v15, $0x9C40  }
0x149: {  	v20 =	vld [tilespmem:s18+$0xFFFFFFB0];
	vm1 =	vne.s32 v1, $0x9C40  }
0x14a: {  	v22 =	vld [tilespmem:s18+$0xFFFFFFC0];
	v21 =	vand.u32 $0xFFFF, v3  }
0x14b: {  	v23 =	vld [tilespmem:s18+$0xFFFFFFD0];
	v24 =	vand.u32 $0xFFFF, v4;
	vm4 =	vne.s32 v21, $0x9C40  }
0x14c: {  	v25 =	vld [tilespmem:s18+$0xFFFFFFE0];
	v11 =	vshrl.u32 v11, $0x10;
	vm6 =	vne.s32 v24, $0x9C40  }
0x14d: {  	v3 =	vshrl.u32 v3, $0x10;
	vm15 =	vne.s32 v11, $0x9C40;
	[tilespmem:v7+s5+$0x0] =	vst.idx.add.f32.msk vm0, v9  }
0x14e: {  	v18 =	vand.u32 $0xFFFF, v2;
	vm5 =	vne.s32 v3, $0x9C40;
	[tilespmem:v15+s5+$0x0] =	vst.idx.add.f32.msk vm14, v12  }
0x14f: {  	v2 =	vshrl.u32 v2, $0x10;
	vm2 =	vne.s32 v18, $0x9C40;
	[tilespmem:v1+s5+$0x0] =	vst.idx.add.f32.msk vm1, v10  }
0x150: {  	v62 =	vand.u32 $0xFFFF, v5;
	vm3 =	vne.s32 v2, $0x9C40;
	v1 =	vld [tilespmem:s18+$0xFFFFFF30]  }
0x151: {  	v4 =	vshrl.u32 v4, $0x10;
	vm10 =	vne.s32 v62, $0x9C40;
	[tilespmem:v21+s5+$0x0] =	vst.idx.add.f32.msk vm4, v60  }
0x152: {  	v5 =	vshrl.u32 v5, $0x10;
	vm9 =	vne.s32 v4, $0x9C40;
	[tilespmem:v24+s5+$0x0] =	vst.idx.add.f32.msk vm6, v14  }
0x153: {  	v63 =	vand.u32 $0xFFFF, v8;
	vm11 =	vne.s32 v5, $0x9C40;
	[tilespmem:v11+s5+$0x0] =	vst.idx.add.f32.msk vm15, v13  }
0x154: {  	vm14 =	vne.s32 v63, $0x9C40;
	[tilespmem:v3+s5+$0x0] =	vst.idx.add.f32.msk vm5, v61;
	v3 =	vshrl.u32 v8, $0x10  }
0x155: {  	vm15 =	vne.s32 v3, $0x9C40;
	[tilespmem:v18+s5+$0x0] =	vst.idx.add.f32.msk vm2, v1;
	v1 =	vand.u32 $0xFFFF, v6  }
0x156: {  	[tilespmem:v2+s5+$0x0] =	vst.idx.add.f32.msk vm3, v59;
	v2 =	vshrl.u32 v6, $0x10;
	vm12 =	vne.s32 v1, $0x9C40  }
0x157: {  	[tilespmem:v62+s5+$0x0] =	vst.idx.add.f32.msk vm10, v17;
	vm13 =	vne.s32 v2, $0x9C40  }
0x158: {  	[tilespmem:v4+s5+$0x0] =	vst.idx.add.f32.msk vm9, v16  }
0x159: {  	[tilespmem:v5+s5+$0x0] =	vst.idx.add.f32.msk vm11, v19  }
0x15a: {  	[tilespmem:v63+s5+$0x0] =	vst.idx.add.f32.msk vm14, v23  }
0x15b: {  	[tilespmem:v3+s5+$0x0] =	vst.idx.add.f32.msk vm15, v25  }
0x15c: {  	[tilespmem:v1+s5+$0x0] =	vst.idx.add.f32.msk vm12, v20  }
0x15d: {  	s20 =	simm.s32 $0xFD70;
	s19 =	simm.s32 $0x0;
	[tilespmem:v2+s5+$0x0] =	vst.idx.add.f32.msk vm13, v22  }
.LBB2_11:
0x15e: {  	v1 =	vld [tilespmem:s20+$0x0]  }
0x15f: {  	s19 =	sadd.s32 $0x8, s19;
	v2 =	vld [tilespmem:s20+$0xFFFFFFA0]  }
0x160: {  	p0 =	slt.u32 s19, $0x1F8;
	v3 =	vld [tilespmem:s20+$0xFFFFFFB0]  }
0x161: {  	v4 =	vld [tilespmem:s20+$0xFFFFFFC0]  }
0x162: {  	v5 =	vld [tilespmem:s20+$0xFFFFFFD0]  }
0x163: {  	v6 =	vld [tilespmem:s20+$0xFFFFFFE0];
	v7 =	vand.u32 $0xFFFF, v1  }
0x164: {  	s18 =	sadd.s32 $0x100, s18;
	v1 =	vshrl.u32 v1, $0x10;
	v8 =	vand.u32 $0xFFFF, v2;
	v9 =	vld [tilespmem:s20+$0xFFFFFFF0];
	vm2 =	vne.s32 v7, $0x9C40  }
0x165: {  	v2 =	vshrl.u32 v2, $0x10;
	vm9 =	vne.s32 v1, $0x9C40;
	v10 =	vand.u32 $0xFFFF, v3;
	v11 =	vld [tilespmem:s18+$0xFFFFFFF0]  }
0x166: {  	v3 =	vshrl.u32 v3, $0x10;
	v12 =	vand.u32 $0xFFFF, v4;
	v4 =	vshrl.u32 v4, $0x10;
	v13 =	vld [tilespmem:s18+$0x0]  }
0x167: {  	vm0 =	vne.s32 v8, $0x9C40;
	v14 =	vld [tilespmem:s20+$0xFFFFFF90];
	v15 =	vand.u32 $0xFFFF, v5;
	v5 =	vshrl.u32 v5, $0x10  }
0x168: {  	vm1 =	vne.s32 v2, $0x9C40;
	v16 =	vld [tilespmem:s18+$0xFFFFFF10];
	v17 =	vand.u32 $0xFFFF, v6;
	v6 =	vshrl.u32 v6, $0x10  }
0x169: {  	vm3 =	vne.s32 v10, $0x9C40;
	v18 =	vld [tilespmem:s18+$0xFFFFFF20];
	v19 =	vand.u32 $0xFFFF, v9;
	v9 =	vshrl.u32 v9, $0x10  }
0x16a: {  	vm8 =	vne.s32 v3, $0x9C40;
	vm6 =	vne.s32 v12, $0x9C40;
	vm4 =	vne.s32 v4, $0x9C40;
	[tilespmem:v7+s5+$0x0] =	vst.idx.add.f32.msk vm2, v11  }
0x16b: {  	vm7 =	vne.s32 v15, $0x9C40;
	vm5 =	vne.s32 v5, $0x9C40;
	vm2 =	vne.s32 v17, $0x9C40;
	[tilespmem:v1+s5+$0x0] =	vst.idx.add.f32.msk vm9, v13  }
0x16c: {  	vm9 =	vne.s32 v6, $0x9C40;
	v1 =	vand.u32 $0xFFFF, v14;
	v7 =	vshrl.u32 v14, $0x10;
	v11 =	vld [tilespmem:s18+$0xFFFFFF30]  }
0x16d: {  	vm10 =	vne.s32 v19, $0x9C40;
	vm12 =	vne.s32 v1, $0x9C40;
	vm13 =	vne.s32 v7, $0x9C40;
	v13 =	vld [tilespmem:s18+$0xFFFFFF40]  }
0x16e: {  	vm11 =	vne.s32 v9, $0x9C40;
	v14 =	vld [tilespmem:s18+$0xFFFFFF50]  }
0x16f: {  	v20 =	vld [tilespmem:s18+$0xFFFFFF60]  }
0x170: {  	v21 =	vld [tilespmem:s18+$0xFFFFFF70]  }
0x171: {  	v22 =	vld [tilespmem:s18+$0xFFFFFF80]  }
0x172: {  	v23 =	vld [tilespmem:s18+$0xFFFFFF90]  }
0x173: {  	v24 =	vld [tilespmem:s18+$0xFFFFFFA0]  }
0x174: {  	v25 =	vld [tilespmem:s18+$0xFFFFFFB0]  }
0x175: {  	v26 =	vld [tilespmem:s18+$0xFFFFFFC0]  }
0x176: {  	v27 =	vld [tilespmem:s18+$0xFFFFFFD0]  }
0x177: {  	v28 =	vld [tilespmem:s18+$0xFFFFFFE0]  }
0x178: {  	[tilespmem:v1+s5+$0x0] =	vst.idx.add.f32.msk vm12, v16  }
0x179: {  	[tilespmem:v7+s5+$0x0] =	vst.idx.add.f32.msk vm13, v18  }
0x17a: {  	[tilespmem:v8+s5+$0x0] =	vst.idx.add.f32.msk vm0, v11  }
0x17b: {  	[tilespmem:v2+s5+$0x0] =	vst.idx.add.f32.msk vm1, v13  }
0x17c: {  	[tilespmem:v10+s5+$0x0] =	vst.idx.add.f32.msk vm3, v14  }
0x17d: {  	[tilespmem:v3+s5+$0x0] =	vst.idx.add.f32.msk vm8, v20  }
0x17e: {  	[tilespmem:v12+s5+$0x0] =	vst.idx.add.f32.msk vm6, v21  }
0x17f: {  	[tilespmem:v4+s5+$0x0] =	vst.idx.add.f32.msk vm4, v22  }
0x180: {  	[tilespmem:v15+s5+$0x0] =	vst.idx.add.f32.msk vm7, v23  }
.Ltmp4:
0x181: {  	[tilespmem:v5+s5+$0x0] =	vst.idx.add.f32.msk vm5, v24;
	(pc) =	sbr.rel @p0 .LBB2_11-.Ltmp4, $4  }
0x182: {  	[tilespmem:v17+s5+$0x0] =	vst.idx.add.f32.msk vm2, v25  }
0x183: {  	[tilespmem:v6+s5+$0x0] =	vst.idx.add.f32.msk vm9, v26  }
0x184: {  	[tilespmem:v19+s5+$0x0] =	vst.idx.add.f32.msk vm10, v27  }
0x185: {  	s20 =	sadd.s32 $0x80, s20;
	[tilespmem:v9+s5+$0x0] =	vst.idx.add.f32.msk vm11, v28  }
0x186: {  	s17 =	sadd.s32 $0xF0000, s17  }
0x187: {  	s17 =	sand.u32 $0x1FFFF800, s17  }
0x188: {  	s17 =	sadd.s32 s1, s17  }
0x189: {  	[tilespmem:s11], [sflag:$0x2] =	stream.linear.gather [hbm4b:s17+s5], $0x4000, $0x38;
	[tilespmem:$0x1DC80] =	vst v63  }
0x18a: {  	_ =	swait.ge [sflag:s12], $0x4000  }
0x18b: {  	[sflag:s12] =	ssyncset.done $0x0  }
0x18c: {  	s18 =	simm.s32 $0x11CF0;
	[sflag:s12] =	ssyncadd.s32 $0xFFFFC000  }
0x18d: {  	v1 =	vld [tilespmem:s18+$0x0]  }
0x18e: {  	v2 =	vld [tilespmem:s18+$0xFFFFFFA0]  }
0x18f: {  	v3 =	vld [tilespmem:s18+$0xFFFFFFB0]  }
0x190: {  	v4 =	vld [tilespmem:s18+$0xFFFFFFC0]  }
0x191: {  	v5 =	vld [tilespmem:s18+$0xFFFFFFD0]  }
0x192: {  	v6 =	vld [tilespmem:s18+$0xFFFFFFE0]  }
0x193: {  	s17 =	simm.s32 $0x15D00;
	v8 =	vld [tilespmem:s18+$0xFFFFFFF0]  }
0x194: {  	v9 =	vld [tilespmem:s17+$0x60]  }
0x195: {  	v10 =	vld [tilespmem:s17+$0x70]  }
0x196: {  	v11 =	vld [tilespmem:s18+$0xFFFFFF90]  }
0x197: {  	v12 =	vld [tilespmem:s17+$0xFFFFFF80]  }
0x198: {  	v13 =	vld [tilespmem:s17+$0xFFFFFF90]  }
0x199: {  	v59 =	vld [tilespmem:s17+$0xFFFFFFB0]  }
0x19a: {  	v60 =	vld [tilespmem:s17+$0xFFFFFFC0]  }
0x19b: {  	v61 =	vld [tilespmem:s17+$0xFFFFFFD0]  }
0x19c: {  	v14 =	vld [tilespmem:s17+$0xFFFFFFE0]  }
0x19d: {  	v16 =	vld [tilespmem:s17+$0xFFFFFFF0];
	v7 =	vand.u32 $0xFFFF, v1  }
0x19e: {  	v17 =	vld [tilespmem:s17+$0x0];
	v15 =	vand.u32 $0xFFFF, v11;
	vm0 =	vne.s32 v7, $0x9C40  }
0x19f: {  	v19 =	vld [tilespmem:s17+$0x10];
	v1 =	vshrl.u32 v1, $0x10;
	vm14 =	vne.s32 v15, $0x9C40  }
0x1a0: {  	v20 =	vld [tilespmem:s17+$0x20];
	vm1 =	vne.s32 v1, $0x9C40  }
0x1a1: {  	v22 =	vld [tilespmem:s17+$0x30];
	v21 =	vand.u32 $0xFFFF, v3  }
0x1a2: {  	v23 =	vld [tilespmem:s17+$0x40];
	v24 =	vand.u32 $0xFFFF, v4;
	vm4 =	vne.s32 v21, $0x9C40  }
0x1a3: {  	v25 =	vld [tilespmem:s17+$0x50];
	v11 =	vshrl.u32 v11, $0x10;
	vm6 =	vne.s32 v24, $0x9C40  }
0x1a4: {  	v3 =	vshrl.u32 v3, $0x10;
	vm15 =	vne.s32 v11, $0x9C40;
	[tilespmem:v7+s5+$0x0] =	vst.idx.add.f32.msk vm0, v9  }
0x1a5: {  	v18 =	vand.u32 $0xFFFF, v2;
	vm5 =	vne.s32 v3, $0x9C40;
	[tilespmem:v15+s5+$0x0] =	vst.idx.add.f32.msk vm14, v12  }
0x1a6: {  	v2 =	vshrl.u32 v2, $0x10;
	vm2 =	vne.s32 v18, $0x9C40;
	[tilespmem:v1+s5+$0x0] =	vst.idx.add.f32.msk vm1, v10  }
0x1a7: {  	v62 =	vand.u32 $0xFFFF, v5;
	vm3 =	vne.s32 v2, $0x9C40;
	v1 =	vld [tilespmem:s17+$0xFFFFFFA0]  }
0x1a8: {  	v4 =	vshrl.u32 v4, $0x10;
	vm10 =	vne.s32 v62, $0x9C40;
	[tilespmem:v21+s5+$0x0] =	vst.idx.add.f32.msk vm4, v60  }
0x1a9: {  	v5 =	vshrl.u32 v5, $0x10;
	vm9 =	vne.s32 v4, $0x9C40;
	[tilespmem:v24+s5+$0x0] =	vst.idx.add.f32.msk vm6, v14  }
0x1aa: {  	v63 =	vand.u32 $0xFFFF, v8;
	vm11 =	vne.s32 v5, $0x9C40;
	[tilespmem:v11+s5+$0x0] =	vst.idx.add.f32.msk vm15, v13  }
0x1ab: {  	vm14 =	vne.s32 v63, $0x9C40;
	[tilespmem:v3+s5+$0x0] =	vst.idx.add.f32.msk vm5, v61;
	v3 =	vshrl.u32 v8, $0x10  }
0x1ac: {  	vm15 =	vne.s32 v3, $0x9C40;
	[tilespmem:v18+s5+$0x0] =	vst.idx.add.f32.msk vm2, v1;
	v1 =	vand.u32 $0xFFFF, v6  }
0x1ad: {  	[tilespmem:v2+s5+$0x0] =	vst.idx.add.f32.msk vm3, v59;
	v2 =	vshrl.u32 v6, $0x10;
	vm12 =	vne.s32 v1, $0x9C40  }
0x1ae: {  	[tilespmem:v62+s5+$0x0] =	vst.idx.add.f32.msk vm10, v17;
	vm13 =	vne.s32 v2, $0x9C40  }
0x1af: {  	[tilespmem:v4+s5+$0x0] =	vst.idx.add.f32.msk vm9, v16  }
0x1b0: {  	[tilespmem:v5+s5+$0x0] =	vst.idx.add.f32.msk vm11, v19  }
0x1b1: {  	[tilespmem:v63+s5+$0x0] =	vst.idx.add.f32.msk vm14, v23  }
0x1b2: {  	[tilespmem:v3+s5+$0x0] =	vst.idx.add.f32.msk vm15, v25  }
0x1b3: {  	[tilespmem:v1+s5+$0x0] =	vst.idx.add.f32.msk vm12, v20  }
0x1b4: {  	s19 =	simm.s32 $0x11D70;
	s18 =	simm.s32 $0x0;
	[tilespmem:v2+s5+$0x0] =	vst.idx.add.f32.msk vm13, v22  }
.LBB2_13:
0x1b5: {  	v1 =	vld [tilespmem:s19+$0x0]  }
0x1b6: {  	s18 =	sadd.s32 $0x8, s18;
	v2 =	vld [tilespmem:s19+$0xFFFFFFA0]  }
0x1b7: {  	p0 =	slt.u32 s18, $0x1F8;
	v3 =	vld [tilespmem:s19+$0xFFFFFFB0]  }
0x1b8: {  	v4 =	vld [tilespmem:s19+$0xFFFFFFC0]  }
0x1b9: {  	v5 =	vld [tilespmem:s19+$0xFFFFFFD0]  }
0x1ba: {  	v6 =	vld [tilespmem:s19+$0xFFFFFFE0];
	v7 =	vand.u32 $0xFFFF, v1  }
0x1bb: {  	s17 =	sadd.s32 $0x100, s17;
	v1 =	vshrl.u32 v1, $0x10;
	v8 =	vand.u32 $0xFFFF, v2;
	v9 =	vld [tilespmem:s19+$0xFFFFFFF0];
	vm2 =	vne.s32 v7, $0x9C40  }
0x1bc: {  	v2 =	vshrl.u32 v2, $0x10;
	vm9 =	vne.s32 v1, $0x9C40;
	v10 =	vand.u32 $0xFFFF, v3;
	v11 =	vld [tilespmem:s17+$0x60]  }
0x1bd: {  	v3 =	vshrl.u32 v3, $0x10;
	v12 =	vand.u32 $0xFFFF, v4;
	v4 =	vshrl.u32 v4, $0x10;
	v13 =	vld [tilespmem:s17+$0x70]  }
0x1be: {  	vm0 =	vne.s32 v8, $0x9C40;
	v14 =	vld [tilespmem:s19+$0xFFFFFF90];
	v15 =	vand.u32 $0xFFFF, v5;
	v5 =	vshrl.u32 v5, $0x10  }
0x1bf: {  	vm1 =	vne.s32 v2, $0x9C40;
	v16 =	vld [tilespmem:s17+$0xFFFFFF80];
	v17 =	vand.u32 $0xFFFF, v6;
	v6 =	vshrl.u32 v6, $0x10  }
0x1c0: {  	vm3 =	vne.s32 v10, $0x9C40;
	v18 =	vld [tilespmem:s17+$0xFFFFFF90];
	v19 =	vand.u32 $0xFFFF, v9;
	v9 =	vshrl.u32 v9, $0x10  }
0x1c1: {  	vm8 =	vne.s32 v3, $0x9C40;
	vm6 =	vne.s32 v12, $0x9C40;
	vm4 =	vne.s32 v4, $0x9C40;
	[tilespmem:v7+s5+$0x0] =	vst.idx.add.f32.msk vm2, v11  }
0x1c2: {  	vm7 =	vne.s32 v15, $0x9C40;
	vm5 =	vne.s32 v5, $0x9C40;
	vm2 =	vne.s32 v17, $0x9C40;
	[tilespmem:v1+s5+$0x0] =	vst.idx.add.f32.msk vm9, v13  }
0x1c3: {  	vm9 =	vne.s32 v6, $0x9C40;
	v1 =	vand.u32 $0xFFFF, v14;
	v7 =	vshrl.u32 v14, $0x10;
	v11 =	vld [tilespmem:s17+$0xFFFFFFA0]  }
0x1c4: {  	vm10 =	vne.s32 v19, $0x9C40;
	vm12 =	vne.s32 v1, $0x9C40;
	vm13 =	vne.s32 v7, $0x9C40;
	v13 =	vld [tilespmem:s17+$0xFFFFFFB0]  }
0x1c5: {  	vm11 =	vne.s32 v9, $0x9C40;
	v14 =	vld [tilespmem:s17+$0xFFFFFFC0]  }
0x1c6: {  	v20 =	vld [tilespmem:s17+$0xFFFFFFD0]  }
0x1c7: {  	v21 =	vld [tilespmem:s17+$0xFFFFFFE0]  }
0x1c8: {  	v22 =	vld [tilespmem:s17+$0xFFFFFFF0]  }
0x1c9: {  	v23 =	vld [tilespmem:s17+$0x0]  }
0x1ca: {  	v24 =	vld [tilespmem:s17+$0x10]  }
0x1cb: {  	v25 =	vld [tilespmem:s17+$0x20]  }
0x1cc: {  	v26 =	vld [tilespmem:s17+$0x30]  }
0x1cd: {  	v27 =	vld [tilespmem:s17+$0x40]  }
0x1ce: {  	v28 =	vld [tilespmem:s17+$0x50]  }
0x1cf: {  	[tilespmem:v1+s5+$0x0] =	vst.idx.add.f32.msk vm12, v16  }
0x1d0: {  	[tilespmem:v7+s5+$0x0] =	vst.idx.add.f32.msk vm13, v18  }
0x1d1: {  	[tilespmem:v8+s5+$0x0] =	vst.idx.add.f32.msk vm0, v11  }
0x1d2: {  	[tilespmem:v2+s5+$0x0] =	vst.idx.add.f32.msk vm1, v13  }
0x1d3: {  	[tilespmem:v10+s5+$0x0] =	vst.idx.add.f32.msk vm3, v14  }
0x1d4: {  	[tilespmem:v3+s5+$0x0] =	vst.idx.add.f32.msk vm8, v20  }
0x1d5: {  	[tilespmem:v12+s5+$0x0] =	vst.idx.add.f32.msk vm6, v21  }
0x1d6: {  	[tilespmem:v4+s5+$0x0] =	vst.idx.add.f32.msk vm4, v22  }
0x1d7: {  	[tilespmem:v15+s5+$0x0] =	vst.idx.add.f32.msk vm7, v23  }
.Ltmp5:
0x1d8: {  	[tilespmem:v5+s5+$0x0] =	vst.idx.add.f32.msk vm5, v24;
	(pc) =	sbr.rel @p0 .LBB2_13-.Ltmp5, $4  }
0x1d9: {  	[tilespmem:v17+s5+$0x0] =	vst.idx.add.f32.msk vm2, v25  }
0x1da: {  	[tilespmem:v6+s5+$0x0] =	vst.idx.add.f32.msk vm9, v26  }
0x1db: {  	[tilespmem:v19+s5+$0x0] =	vst.idx.add.f32.msk vm10, v27  }
0x1dc: {  	s19 =	sadd.s32 $0x80, s19;
	[tilespmem:v9+s5+$0x0] =	vst.idx.add.f32.msk vm11, v28  }
0x1dd: {  	_ =	swait.ge [sflag:s13], $0x4000  }
0x1de: {  	[sflag:s13] =	ssyncset.done $0x0  }
0x1df: {  	s18 =	simm.s32 $0x13CF0;
	[sflag:s13] =	ssyncadd.s32 $0xFFFFC000  }
0x1e0: {  	v1 =	vld [tilespmem:s18+$0x0]  }
0x1e1: {  	v2 =	vld [tilespmem:s18+$0xFFFFFFA0]  }
0x1e2: {  	v3 =	vld [tilespmem:s18+$0xFFFFFFB0]  }
0x1e3: {  	v4 =	vld [tilespmem:s18+$0xFFFFFFC0]  }
0x1e4: {  	v5 =	vld [tilespmem:s18+$0xFFFFFFD0]  }
0x1e5: {  	v6 =	vld [tilespmem:s18+$0xFFFFFFE0]  }
0x1e6: {  	s17 =	simm.s32 $0x19D70;
	v8 =	vld [tilespmem:s18+$0xFFFFFFF0]  }
0x1e7: {  	v9 =	vld [tilespmem:s17+$0xFFFFFFF0]  }
0x1e8: {  	v10 =	vld [tilespmem:s17+$0x0]  }
0x1e9: {  	v11 =	vld [tilespmem:s18+$0xFFFFFF90]  }
0x1ea: {  	v12 =	vld [tilespmem:s17+$0xFFFFFF10]  }
0x1eb: {  	v13 =	vld [tilespmem:s17+$0xFFFFFF20]  }
0x1ec: {  	v59 =	vld [tilespmem:s17+$0xFFFFFF40]  }
0x1ed: {  	v60 =	vld [tilespmem:s17+$0xFFFFFF50]  }
0x1ee: {  	v61 =	vld [tilespmem:s17+$0xFFFFFF60]  }
0x1ef: {  	v14 =	vld [tilespmem:s17+$0xFFFFFF70]  }
0x1f0: {  	v16 =	vld [tilespmem:s17+$0xFFFFFF80];
	v7 =	vand.u32 $0xFFFF, v1  }
0x1f1: {  	v17 =	vld [tilespmem:s17+$0xFFFFFF90];
	v15 =	vand.u32 $0xFFFF, v11;
	vm0 =	vne.s32 v7, $0x9C40  }
0x1f2: {  	v19 =	vld [tilespmem:s17+$0xFFFFFFA0];
	v1 =	vshrl.u32 v1, $0x10;
	vm14 =	vne.s32 v15, $0x9C40  }
0x1f3: {  	v20 =	vld [tilespmem:s17+$0xFFFFFFB0];
	vm1 =	vne.s32 v1, $0x9C40  }
0x1f4: {  	v22 =	vld [tilespmem:s17+$0xFFFFFFC0];
	v21 =	vand.u32 $0xFFFF, v3  }
0x1f5: {  	v23 =	vld [tilespmem:s17+$0xFFFFFFD0];
	v24 =	vand.u32 $0xFFFF, v4;
	vm4 =	vne.s32 v21, $0x9C40  }
0x1f6: {  	v25 =	vld [tilespmem:s17+$0xFFFFFFE0];
	v11 =	vshrl.u32 v11, $0x10;
	vm6 =	vne.s32 v24, $0x9C40  }
0x1f7: {  	v3 =	vshrl.u32 v3, $0x10;
	vm15 =	vne.s32 v11, $0x9C40;
	[tilespmem:v7+s5+$0x0] =	vst.idx.add.f32.msk vm0, v9  }
0x1f8: {  	v18 =	vand.u32 $0xFFFF, v2;
	vm5 =	vne.s32 v3, $0x9C40;
	[tilespmem:v15+s5+$0x0] =	vst.idx.add.f32.msk vm14, v12  }
0x1f9: {  	v2 =	vshrl.u32 v2, $0x10;
	vm2 =	vne.s32 v18, $0x9C40;
	[tilespmem:v1+s5+$0x0] =	vst.idx.add.f32.msk vm1, v10  }
0x1fa: {  	v62 =	vand.u32 $0xFFFF, v5;
	vm3 =	vne.s32 v2, $0x9C40;
	v1 =	vld [tilespmem:s17+$0xFFFFFF30]  }
0x1fb: {  	v4 =	vshrl.u32 v4, $0x10;
	vm10 =	vne.s32 v62, $0x9C40;
	[tilespmem:v21+s5+$0x0] =	vst.idx.add.f32.msk vm4, v60  }
0x1fc: {  	v5 =	vshrl.u32 v5, $0x10;
	vm9 =	vne.s32 v4, $0x9C40;
	[tilespmem:v24+s5+$0x0] =	vst.idx.add.f32.msk vm6, v14  }
0x1fd: {  	v63 =	vand.u32 $0xFFFF, v8;
	vm11 =	vne.s32 v5, $0x9C40;
	[tilespmem:v11+s5+$0x0] =	vst.idx.add.f32.msk vm15, v13  }
0x1fe: {  	vm14 =	vne.s32 v63, $0x9C40;
	[tilespmem:v3+s5+$0x0] =	vst.idx.add.f32.msk vm5, v61;
	v3 =	vshrl.u32 v8, $0x10  }
0x1ff: {  	vm15 =	vne.s32 v3, $0x9C40;
	[tilespmem:v18+s5+$0x0] =	vst.idx.add.f32.msk vm2, v1;
	v1 =	vand.u32 $0xFFFF, v6  }
0x200: {  	[tilespmem:v2+s5+$0x0] =	vst.idx.add.f32.msk vm3, v59;
	v2 =	vshrl.u32 v6, $0x10;
	vm12 =	vne.s32 v1, $0x9C40  }
0x201: {  	[tilespmem:v62+s5+$0x0] =	vst.idx.add.f32.msk vm10, v17;
	vm13 =	vne.s32 v2, $0x9C40  }
0x202: {  	[tilespmem:v4+s5+$0x0] =	vst.idx.add.f32.msk vm9, v16  }
0x203: {  	[tilespmem:v5+s5+$0x0] =	vst.idx.add.f32.msk vm11, v19  }
0x204: {  	[tilespmem:v63+s5+$0x0] =	vst.idx.add.f32.msk vm14, v23  }
0x205: {  	[tilespmem:v3+s5+$0x0] =	vst.idx.add.f32.msk vm15, v25  }
0x206: {  	[tilespmem:v1+s5+$0x0] =	vst.idx.add.f32.msk vm12, v20  }
0x207: {  	s19 =	simm.s32 $0x13D70;
	s18 =	simm.s32 $0x0;
	[tilespmem:v2+s5+$0x0] =	vst.idx.add.f32.msk vm13, v22  }
.LBB2_15:
0x208: {  	v1 =	vld [tilespmem:s19+$0x0]  }
0x209: {  	s18 =	sadd.s32 $0x8, s18;
	v2 =	vld [tilespmem:s19+$0xFFFFFFA0]  }
0x20a: {  	p0 =	slt.u32 s18, $0x1F8;
	v3 =	vld [tilespmem:s19+$0xFFFFFFB0]  }
0x20b: {  	v4 =	vld [tilespmem:s19+$0xFFFFFFC0]  }
0x20c: {  	v5 =	vld [tilespmem:s19+$0xFFFFFFD0]  }
0x20d: {  	v6 =	vld [tilespmem:s19+$0xFFFFFFE0];
	v7 =	vand.u32 $0xFFFF, v1  }
0x20e: {  	s17 =	sadd.s32 $0x100, s17;
	v1 =	vshrl.u32 v1, $0x10;
	v8 =	vand.u32 $0xFFFF, v2;
	v9 =	vld [tilespmem:s19+$0xFFFFFFF0];
	vm2 =	vne.s32 v7, $0x9C40  }
0x20f: {  	v2 =	vshrl.u32 v2, $0x10;
	vm9 =	vne.s32 v1, $0x9C40;
	v10 =	vand.u32 $0xFFFF, v3;
	v11 =	vld [tilespmem:s17+$0xFFFFFFF0]  }
0x210: {  	v3 =	vshrl.u32 v3, $0x10;
	v12 =	vand.u32 $0xFFFF, v4;
	v4 =	vshrl.u32 v4, $0x10;
	v13 =	vld [tilespmem:s17+$0x0]  }
0x211: {  	vm0 =	vne.s32 v8, $0x9C40;
	v14 =	vld [tilespmem:s19+$0xFFFFFF90];
	v15 =	vand.u32 $0xFFFF, v5;
	v5 =	vshrl.u32 v5, $0x10  }
0x212: {  	vm1 =	vne.s32 v2, $0x9C40;
	v16 =	vld [tilespmem:s17+$0xFFFFFF10];
	v17 =	vand.u32 $0xFFFF, v6;
	v6 =	vshrl.u32 v6, $0x10  }
0x213: {  	vm3 =	vne.s32 v10, $0x9C40;
	v18 =	vld [tilespmem:s17+$0xFFFFFF20];
	v19 =	vand.u32 $0xFFFF, v9;
	v9 =	vshrl.u32 v9, $0x10  }
0x214: {  	vm8 =	vne.s32 v3, $0x9C40;
	vm6 =	vne.s32 v12, $0x9C40;
	vm4 =	vne.s32 v4, $0x9C40;
	[tilespmem:v7+s5+$0x0] =	vst.idx.add.f32.msk vm2, v11  }
0x215: {  	vm7 =	vne.s32 v15, $0x9C40;
	vm5 =	vne.s32 v5, $0x9C40;
	vm2 =	vne.s32 v17, $0x9C40;
	[tilespmem:v1+s5+$0x0] =	vst.idx.add.f32.msk vm9, v13  }
0x216: {  	vm9 =	vne.s32 v6, $0x9C40;
	v1 =	vand.u32 $0xFFFF, v14;
	v7 =	vshrl.u32 v14, $0x10;
	v11 =	vld [tilespmem:s17+$0xFFFFFF30]  }
0x217: {  	vm10 =	vne.s32 v19, $0x9C40;
	vm12 =	vne.s32 v1, $0x9C40;
	vm13 =	vne.s32 v7, $0x9C40;
	v13 =	vld [tilespmem:s17+$0xFFFFFF40]  }
0x218: {  	vm11 =	vne.s32 v9, $0x9C40;
	v14 =	vld [tilespmem:s17+$0xFFFFFF50]  }
0x219: {  	v20 =	vld [tilespmem:s17+$0xFFFFFF60]  }
0x21a: {  	v21 =	vld [tilespmem:s17+$0xFFFFFF70]  }
0x21b: {  	v22 =	vld [tilespmem:s17+$0xFFFFFF80]  }
0x21c: {  	v23 =	vld [tilespmem:s17+$0xFFFFFF90]  }
0x21d: {  	v24 =	vld [tilespmem:s17+$0xFFFFFFA0]  }
0x21e: {  	v25 =	vld [tilespmem:s17+$0xFFFFFFB0]  }
0x21f: {  	v26 =	vld [tilespmem:s17+$0xFFFFFFC0]  }
0x220: {  	v27 =	vld [tilespmem:s17+$0xFFFFFFD0]  }
0x221: {  	v28 =	vld [tilespmem:s17+$0xFFFFFFE0]  }
0x222: {  	[tilespmem:v1+s5+$0x0] =	vst.idx.add.f32.msk vm12, v16  }
0x223: {  	[tilespmem:v7+s5+$0x0] =	vst.idx.add.f32.msk vm13, v18  }
0x224: {  	[tilespmem:v8+s5+$0x0] =	vst.idx.add.f32.msk vm0, v11  }
0x225: {  	[tilespmem:v2+s5+$0x0] =	vst.idx.add.f32.msk vm1, v13  }
0x226: {  	[tilespmem:v10+s5+$0x0] =	vst.idx.add.f32.msk vm3, v14  }
0x227: {  	[tilespmem:v3+s5+$0x0] =	vst.idx.add.f32.msk vm8, v20  }
0x228: {  	[tilespmem:v12+s5+$0x0] =	vst.idx.add.f32.msk vm6, v21  }
0x229: {  	[tilespmem:v4+s5+$0x0] =	vst.idx.add.f32.msk vm4, v22  }
0x22a: {  	[tilespmem:v15+s5+$0x0] =	vst.idx.add.f32.msk vm7, v23  }
.Ltmp6:
0x22b: {  	[tilespmem:v5+s5+$0x0] =	vst.idx.add.f32.msk vm5, v24;
	(pc) =	sbr.rel @p0 .LBB2_15-.Ltmp6, $4  }
0x22c: {  	[tilespmem:v17+s5+$0x0] =	vst.idx.add.f32.msk vm2, v25  }
0x22d: {  	[tilespmem:v6+s5+$0x0] =	vst.idx.add.f32.msk vm9, v26  }
0x22e: {  	[tilespmem:v19+s5+$0x0] =	vst.idx.add.f32.msk vm10, v27  }
0x22f: {  	s19 =	sadd.s32 $0x80, s19;
	[tilespmem:v9+s5+$0x0] =	vst.idx.add.f32.msk vm11, v28  }
0x230: {  	s16 =	smul.u32 $0x1388, s16;
	s15 =	sadd.s32 $0x1, s15  }
0x231: {  	p0 =	sne.s32 s15, $0xC  }
.Ltmp7:
0x232: {  	s16 =	sadd.s32 s3, s16;
	(pc) =	sbr.rel @p0 .LBB2_2-.Ltmp7, $4  }
0x233: {  	[hbm4b:s16+s5] =	stream.linear.scatter [tilespmem:s5], [sflag:$0x3], $0x9C40, $0x38;
	[tilespmem:$0x1DC80] =	vst v63  }
0x234: {  	_ =	swait.ge [sflag:s9], $0x9C40  }
0x235: {  	[sflag:s9] =	ssyncset.done $0x0  }
0x236: {  	[sflag:s9] =	ssyncadd.s32 $0xFFFF63C0  }
0x237: {  	s14 =	sadd.s32 $0x1, s14  }
0x238: {  	p0 =	sne.s32 s14, s7  }
.Ltmp8:
0x239: {  	_ = 	snop;
	(pc) =	sbr.rel @p0 .LBB2_1-.Ltmp8, $1  }
0x23a: {  	_ =	sdelay $0x3  }
0x23b: {  	_ =	sfence.sel $0x180000  }
0x23c: {  	[bflag:$0x0] =	sbarrier.arrive $0xFFFF  }
0x23d: {  	p0 =	sne.s32 s4, $0x0;
	_ =	strace $0x90000047  }
0x23e: {  	s0 =	sadd.s32 @!p0 $0x100000, s0;
	[bflag:$0x2] =	sbarrier.arrive $0xFFFF  }
0x23f: {  	[sflag:s0] =	ssyncadd.tile.s32 @!p0 $0x1;
	_ =	shalt  }
.Lfunc_end2:
_tile_overlayer_lowered:
.L_overlay_start_2:
0x240: {  	(tag) =	ssettag $0x2  }
0x241: {  	s0 =	rddreg [dreg:$0x0];
	s2 =	stileid.u32  }
0x242: {  	s1 =	rddreg [dreg:$0x1];
	p0 =	sne.s32 s2, $0x0  }
0x243: {  	s3 =	rddreg [dreg:$0x2];
	[bflag:$0x3] =	sbarrier.arrive $0xFFFF;
	s2 =	simm.s32 @!p0 $0x1C03  }
0x244: {  	[timem:s3], [sflag:s2] =	dma.local @!p0 [hbm:s0], s1  }
0x245: {  	s0 =	simm.s32 @!p0 $0x3  }
0x246: {  	_ =	swait.ge @!p0 [sflag:s0], s1  }
0x247: {  	s1 =	ssub.s32 @!p0 $0x0, s1;
	[sflag:s0] =	ssyncset.done @!p0 $0x0  }
0x248: {  	[sflag:s0] =	ssyncadd.s32 @!p0 s1  }
0x249: {  	[bflag:$0x3] =	sbarrier.arrive $0xFFFF  }
0x24a: {  	_ =	shalt  }

</sc_bundles>
